<compile_context>
chip_gen: v7x
topology: tpu7x:2x2x1
jax: 0.10.2.dev20260603
libtpu: 0.0.44.dev20260713+nightly
codegen_flags: <defaults>
</compile_context>

<pallas_src>
import functools

import jax
import jax.numpy as jnp
from jax import lax
from jax.experimental import pallas as pl
from jax.experimental.pallas import tpu as pltpu
from jax.experimental.pallas import tpu_sc as plsc

N_USER = 10000
N_ITEM = 10000
N_EDGES = 320000
D = 128

NC = 2
NS = 16
NW = NC * NS
CHUNK = 128
NBUF = 2
STAGES = 2
CHUNKS_PER_W = 80
CPS = CHUNKS_PER_W // STAGES
E_PAD = NW * CHUNKS_PER_W * CHUNK
ACC_ROWS = 10016
ZROWS_PER_SUB = ACC_ROWS // NS
OUT_ROWS_PER_SUB = 624
OUT_TAIL = N_USER - NS * OUT_ROWS_PER_SUB
DUMMY_BASE = N_USER


def _sc_partials(x_item, src, dst):
    mesh = plsc.VectorSubcoreMesh(core_axis_name="c", subcore_axis_name="s")

    @functools.partial(
        pl.kernel,
        mesh=mesh,
        out_type=jax.ShapeDtypeStruct((NC, N_USER, D), jnp.float32),
        scratch_types=[
            pltpu.VMEM((CPS, CHUNK), jnp.int32),
            pltpu.VMEM((CPS, CHUNK), jnp.int32),
            pltpu.VMEM((NBUF, CHUNK, D), jnp.float32),
            pltpu.VMEM_SHARED((ACC_ROWS, D), jnp.float32),
            pltpu.SemaphoreType.DMA((NBUF,)),
            pltpu.SemaphoreType.DMA((2,)),
        ],
    )
    def k(x_hbm, src_hbm, dst_hbm, part_hbm, src_sl, dst_sl, rows, acc,
          gsem, isem):
        c = lax.axis_index("c")
        s = lax.axis_index("s")
        wid = c * NS + s

        slab_src = pltpu.make_async_copy(
            src_hbm.at[wid, pl.ds(0, CPS)], src_sl, isem.at[0])
        slab_dst = pltpu.make_async_copy(
            dst_hbm.at[wid, pl.ds(0, CPS)], dst_sl, isem.at[1])
        slab_src.start()
        slab_dst.start()

        def _zrow(i, _):
            def _zcol(jj, _):
                rows[0, i, pl.ds(jj * 16, 16)] = jnp.zeros((16,), jnp.float32)
                return 0
            return lax.fori_loop(0, D // 16, _zcol, 0)
        lax.fori_loop(0, CHUNK, _zrow, 0)

        def _zcopy(i, _):
            pltpu.sync_copy(
                rows.at[0], acc.at[pl.ds(s * ZROWS_PER_SUB + i * CHUNK, CHUNK)]
            )
            return 0
        lax.fori_loop(0, ZROWS_PER_SUB // CHUNK, _zcopy, 0)
        ztail = ZROWS_PER_SUB - (ZROWS_PER_SUB // CHUNK) * CHUNK
        if ztail:
            pltpu.sync_copy(
                rows.at[0, pl.ds(0, ztail)],
                acc.at[pl.ds(s * ZROWS_PER_SUB + ZROWS_PER_SUB - ztail, ztail)],
            )

        slab_src.wait()
        slab_dst.wait()

        def _gather_start(j, b):
            pltpu.make_async_copy(
                x_hbm.at[src_sl.at[j]], rows.at[b], gsem.at[b]).start()

        def _gather_wait(b):
            pltpu.make_async_copy(
                x_hbm.at[src_sl.at[0]], rows.at[b], gsem.at[b]).wait()

        for b in range(NBUF):
            _gather_start(b, b)
        plsc.subcore_barrier()

        for st in range(STAGES):
            if st > 0:
                pltpu.sync_copy(src_hbm.at[wid, pl.ds(st * CPS, CPS)], src_sl)
                pltpu.sync_copy(dst_hbm.at[wid, pl.ds(st * CPS, CPS)], dst_sl)
                for b in range(NBUF):
                    _gather_start(b, b)

            def _group(g, _):
                for b in range(NBUF):
                    j = g * NBUF + b
                    _gather_wait(b)
                    pltpu.sync_copy(rows.at[b], acc.at[dst_sl.at[j]], add=True)

                    @pl.when(j + NBUF < CPS)
                    def _():
                        _gather_start(j + NBUF, b)
                return 0
            lax.fori_loop(0, CPS // NBUF, _group, 0)

        plsc.subcore_barrier()

        pltpu.sync_copy(
            acc.at[pl.ds(s * OUT_ROWS_PER_SUB, OUT_ROWS_PER_SUB)],
            part_hbm.at[c, pl.ds(s * OUT_ROWS_PER_SUB, OUT_ROWS_PER_SUB)],
        )

        @pl.when(s == NS - 1)
        def _tail():
            pltpu.sync_copy(
                acc.at[pl.ds(NS * OUT_ROWS_PER_SUB, OUT_TAIL)],
                part_hbm.at[c, pl.ds(NS * OUT_ROWS_PER_SUB, OUT_TAIL)],
            )

    return k(x_item, src, dst)


def _combine_body(p_ref, o_ref):
    o_ref[...] = jnp.maximum(p_ref[0] + p_ref[1], 0.0)


def _combine(partials):
    blk = 1000
    return pl.pallas_call(
        _combine_body,
        out_shape=jax.ShapeDtypeStruct((N_USER, D), jnp.float32),
        grid=(N_USER // blk,),
        in_specs=[pl.BlockSpec((NC, blk, D), lambda i: (0, i, 0))],
        out_specs=pl.BlockSpec((blk, D), lambda i: (i, 0)),
    )(partials)


def kernel(x_user, x_item, edge_index_to, edge_index_rev):
    src = edge_index_rev[0].astype(jnp.int32)
    dst = edge_index_rev[1].astype(jnp.int32)
    pad = E_PAD - N_EDGES
    fill = jnp.arange(pad, dtype=jnp.int32)
    src = jnp.concatenate([src, fill % N_ITEM])
    dst = jnp.concatenate([dst, DUMMY_BASE + (fill % (ACC_ROWS - N_USER))])
    src = src.reshape(NW, CHUNKS_PER_W, CHUNK)
    dst = dst.reshape(NW, CHUNKS_PER_W, CHUNK)
    partials = _sc_partials(x_item, src, dst)
    return _combine(partials)

# --- scband reference (transcript-rebuilt; emitter-appended) ---
"""Pipeline reference for scband-hetero-message-passing-along-mp-45930380263451 (READ-ONLY COPY).

The authoritative reference and input builder live on the scoring server;
editing this copy changes nothing except your own understanding.
"""

import jax, jax.numpy as jnp
import numpy as np

N_USER = 10000
N_ITEM = 10000
N_EDGES = 320000
D_FEAT = 128


def setup_inputs(seed: int = 0) -> dict:
    key = jax.random.key(seed)
    k1, k2, k3, k4 = jax.random.split(key, 4)
    x_user = jax.random.normal(k1, (N_USER, D_FEAT), dtype=jnp.float32)
    x_item = jax.random.normal(k2, (N_ITEM, D_FEAT), dtype=jnp.float32)
    edge_index_to = jax.random.randint(k3, (2, N_EDGES), 0, N_USER, dtype=jnp.int64)
    edge_index_rev = jax.random.randint(k4, (2, N_EDGES), 0, N_ITEM, dtype=jnp.int64)
    return {
        "x_user": x_user,
        "x_item": x_item,
        "edge_index_to": edge_index_to,
        "edge_index_rev": edge_index_rev,
    }


def reference(x_user, x_item, edge_index_to, edge_index_rev):
    # metapath = ["user", "item"], collect_mode=False, single HeteroConv hop
    # ('user','to','item'): message x_j = x_user[src], aggr='add' over dst item nodes
    # ('item','rev_to','user'): message x_j = x_item[src], aggr='add' over dst user nodes
    # HeteroConv aggr='sum' is trivial (one conv per dst type); then relu, update x_dict,
    # return x_dict[metapath[0]] == updated user features.
    src_to, dst_to = edge_index_to[0], edge_index_to[1]
    msgs_item = jnp.take(x_user, src_to, axis=0)
    out_item = jax.ops.segment_sum(msgs_item, dst_to, num_segments=x_item.shape[0])
    out_item = jax.nn.relu(out_item)

    src_rev, dst_rev = edge_index_rev[0], edge_index_rev[1]
    msgs_user = jnp.take(x_item, src_rev, axis=0)
    out_user = jax.ops.segment_sum(msgs_user, dst_rev, num_segments=x_user.shape[0])
    out_user = jax.nn.relu(out_user)

    # x_dict updated with {'item': out_item, 'user': out_user}; return x_dict['user']
    return out_user

if __name__ == "__main__":
    import jax
    _d = setup_inputs()
    print(jax.jit(kernel)(*tuple(_d.values())))

</pallas_src>

<mosaic_0001>
#map = affine_map<(d0, d1) -> (0, 0)>
#map1 = affine_map<(d0, d1) -> (0, 0, 0)>
module attributes {stable_mosaic.version = 14 : i64} {
  func.func @k(%arg0: i32, %arg1: i32, %arg2: memref<10000x128xf32, #tpu.memory_space<hbm>>, %arg3: memref<32x80x128xi32, #tpu.memory_space<hbm>>, %arg4: memref<32x80x128xi32, #tpu.memory_space<hbm>>, %arg5: memref<2x10000x128xf32, #tpu.memory_space<hbm>>, %arg6: memref<40x128xi32, #tpu.memory_space<vmem>>, %arg7: memref<40x128xi32, #tpu.memory_space<vmem>>, %arg8: memref<2x128x128xf32, #tpu.memory_space<vmem>>, %arg9: memref<10016x128xf32, #tpu.memory_space<vmem_shared>>, %arg10: memref<2x!tpu.dma_semaphore, #tpu.memory_space<semaphore_mem>>, %arg11: memref<2x!tpu.dma_semaphore, #tpu.memory_space<semaphore_mem>>) attributes {dimension_semantics = [#tpu.dimension_semantics<core_parallel>, #tpu.dimension_semantics<subcore_parallel>], iteration_bounds = array<i64: 2, 16>, scalar_prefetch = 0 : i64, scratch_operands = 6 : i64, tpu.core_type = #tpu.core_type<sc_vector_subcore>, window_params = [{transform_indices = #map}, {transform_indices = #map1}, {transform_indices = #map1}, {transform_indices = #map1}]} {
    %mul3A = arith.constant 16 : i32
    %mul3A_0 = arith.muli %arg0, %mul3A : i32
    %add3A = arith.addi %mul3A_0, %arg1 : i32
    %dma_start3A = arith.constant 0 : i32
    %dma_start3A_1 = arith.constant 0 : i32
    %dma_start3A_2 = arith.constant 0 : i32
    %dma_start3A_3 = tpu.memref_slice %arg3[%add3A, %dma_start3A_1, %dma_start3A_2] : memref<32x80x128xi32, #tpu.memory_space<hbm>> -> memref<1x40x128xi32, #tpu.memory_space<hbm>>
    %dma_start3A_4 = tpu.memref_squeeze %dma_start3A_3 : memref<1x40x128xi32, #tpu.memory_space<hbm>> -> memref<40x128xi32, #tpu.memory_space<hbm>>
    %dma_start3A_5 = tpu.memref_slice %arg11[%dma_start3A] : memref<2x!tpu.dma_semaphore, #tpu.memory_space<semaphore_mem>> -> memref<1x!tpu.dma_semaphore, #tpu.memory_space<semaphore_mem>>
    %dma_start3A_6 = tpu.memref_squeeze %dma_start3A_5 : memref<1x!tpu.dma_semaphore, #tpu.memory_space<semaphore_mem>> -> memref<!tpu.dma_semaphore, #tpu.memory_space<semaphore_mem>>
    %dma_start3A_7 = arith.constant 0 : i32
    %dma_start3A_8 = arith.constant 0 : i32
    %dma_start3A_9 = tpu.memref_slice %arg3[%add3A, %dma_start3A_7, %dma_start3A_8] : memref<32x80x128xi32, #tpu.memory_space<hbm>> -> memref<1x40x128xi32, #tpu.memory_space<hbm>>
    %dma_start3A_10 = tpu.memref_squeeze %dma_start3A_9 : memref<1x40x128xi32, #tpu.memory_space<hbm>> -> memref<40x128xi32, #tpu.memory_space<hbm>>
    tpu.enqueue_dma source(%dma_start3A_10 : memref<40x128xi32, #tpu.memory_space<hbm>>) target(%arg6 : memref<40x128xi32, #tpu.memory_space<vmem>>) target_semaphore(%dma_start3A_6 : memref<!tpu.dma_semaphore, #tpu.memory_space<semaphore_mem>>)
    %dma_start3A_11 = arith.constant 1 : i32
    %dma_start3A_12 = arith.constant 0 : i32
    %dma_start3A_13 = arith.constant 0 : i32
    %dma_start3A_14 = tpu.memref_slice %arg4[%add3A, %dma_start3A_12, %dma_start3A_13] : memref<32x80x128xi32, #tpu.memory_space<hbm>> -> memref<1x40x128xi32, #tpu.memory_space<hbm>>
    %dma_start3A_15 = tpu.memref_squeeze %dma_start3A_14 : memref<1x40x128xi32, #tpu.memory_space<hbm>> -> memref<40x128xi32, #tpu.memory_space<hbm>>
    %dma_start3A_16 = tpu.memref_slice %arg11[%dma_start3A_11] : memref<2x!tpu.dma_semaphore, #tpu.memory_space<semaphore_mem>> -> memref<1x!tpu.dma_semaphore, #tpu.memory_space<semaphore_mem>>
    %dma_start3A_17 = tpu.memref_squeeze %dma_start3A_16 : memref<1x!tpu.dma_semaphore, #tpu.memory_space<semaphore_mem>> -> memref<!tpu.dma_semaphore, #tpu.memory_space<semaphore_mem>>
    %dma_start3A_18 = arith.constant 0 : i32
    %dma_start3A_19 = arith.constant 0 : i32
    %dma_start3A_20 = tpu.memref_slice %arg4[%add3A, %dma_start3A_18, %dma_start3A_19] : memref<32x80x128xi32, #tpu.memory_space<hbm>> -> memref<1x40x128xi32, #tpu.memory_space<hbm>>
    %dma_start3A_21 = tpu.memref_squeeze %dma_start3A_20 : memref<1x40x128xi32, #tpu.memory_space<hbm>> -> memref<40x128xi32, #tpu.memory_space<hbm>>
    tpu.enqueue_dma source(%dma_start3A_21 : memref<40x128xi32, #tpu.memory_space<hbm>>) target(%arg7 : memref<40x128xi32, #tpu.memory_space<vmem>>) target_semaphore(%dma_start3A_17 : memref<!tpu.dma_semaphore, #tpu.memory_space<semaphore_mem>>)
    %scan3A = arith.constant 0 : i32
    %scan3A_22 = arith.constant 0 : i32
    %scan3A_23 = arith.constant 128 : i32
    %scan3A_24 = arith.addi %scan3A_22, %scan3A_23 : i32
    %scan3A_25 = arith.constant 1 : i32
    %scan3A_26 = scf.for %scan3A_142 = %scan3A_22 to %scan3A_24 step %scan3A_25 iter_args(%scan3A_143 = %scan3A) -> (i32)  : i32 {
      %scan3A_144 = arith.constant 0 : i32
      %scan3A_145 = arith.constant 0 : i32
      %scan3A_146 = arith.constant 8 : i32
      %scan3A_147 = arith.addi %scan3A_145, %scan3A_146 : i32
      %scan3A_148 = arith.constant 1 : i32
      %scan3A_149 = scf.for %scan3A_151 = %scan3A_145 to %scan3A_147 step %scan3A_148 iter_args(%scan3A_152 = %scan3A_144) -> (i32)  : i32 {
        %broadcast_in_dim3A = arith.constant 0.000000e+00 : f32
        %broadcast_in_dim3A_153 = vector.broadcast %broadcast_in_dim3A : f32 to vector<16xf32>
        %mul3A_154 = arith.constant 16 : i32
        %mul3A_155 = arith.muli %scan3A_151, %mul3A_154 : i32
        %swap3A = arith.constant 0 : i32
        %swap3A_156 = arith.index_cast %swap3A : i32 to index
        %swap3A_157 = arith.index_cast %scan3A_142 : i32 to index
        %swap3A_158 = arith.index_cast %mul3A_155 : i32 to index
        %swap3A_159 = tpu.vector_load %arg8[%swap3A_156, %swap3A_157, %swap3A_158] {strides = array<i32>} : memref<2x128x128xf32, #tpu.memory_space<vmem>>, vector<1x1x16xf32>,
        %swap3A_160 = vector.shape_cast %swap3A_159 : vector<1x1x16xf32> to vector<16xf32>
        %swap3A_161 = vector.shape_cast %broadcast_in_dim3A_153 : vector<16xf32> to vector<1x1x16xf32>
        tpu.vector_store %arg8[%swap3A_156, %swap3A_157, %swap3A_158], %swap3A_161 {strides = array<i32>} : memref<2x128x128xf32, #tpu.memory_space<vmem>>, vector<1x1x16xf32>,
        %scan3A_162 = arith.constant 0 : i32
        scf.yield %scan3A_162 : i32
      }
      %scan3A_150 = arith.constant 8 : i32
      scf.yield %scan3A_149 : i32
    }
    %scan3A_27 = arith.constant 128 : i32
    %scan3A_28 = arith.constant 0 : i32
    %scan3A_29 = arith.constant 0 : i32
    %scan3A_30 = arith.constant 4 : i32
    %scan3A_31 = arith.addi %scan3A_29, %scan3A_30 : i32
    %scan3A_32 = arith.constant 1 : i32
    %scan3A_33 = scf.for %scan3A_142 = %scan3A_29 to %scan3A_31 step %scan3A_32 iter_args(%scan3A_143 = %scan3A_28) -> (i32)  : i32 {
      %mul3A_144 = arith.constant 626 : i32
      %mul3A_145 = arith.muli %arg1, %mul3A_144 : i32
      %mul3A_146 = arith.constant 128 : i32
      %mul3A_147 = arith.muli %scan3A_142, %mul3A_146 : i32
      %add3A_148 = arith.addi %mul3A_145, %mul3A_147 : i32
      %run_scoped3A_149 = arith.constant 0 : i32
      "tpu.region"() ({
        %run_scoped3A_151 = tpu.sem_alloc : memref<!tpu.dma_semaphore, #tpu.memory_space<semaphore_mem>>
        %dma_start3A_152 = arith.constant 0 : i32
        %dma_start3A_153 = arith.constant 0 : i32
        %dma_start3A_154 = tpu.memref_slice %arg8[%run_scoped3A_149, %dma_start3A_152, %dma_start3A_153] : memref<2x128x128xf32, #tpu.memory_space<vmem>> -> memref<1x128x128xf32, #tpu.memory_space<vmem>>
        %dma_start3A_155 = tpu.memref_squeeze %dma_start3A_154 : memref<1x128x128xf32, #tpu.memory_space<vmem>> -> memref<128x128xf32, #tpu.memory_space<vmem>>
        %dma_start3A_156 = arith.constant 0 : i32
        %dma_start3A_157 = tpu.memref_slice %arg9[%add3A_148, %dma_start3A_156] : memref<10016x128xf32, #tpu.memory_space<vmem_shared>> -> memref<128x128xf32, #tpu.memory_space<vmem_shared>>
        %dma_start3A_158 = arith.constant 0 : i32
        %dma_start3A_159 = tpu.memref_slice %arg9[%add3A_148, %dma_start3A_158] : memref<10016x128xf32, #tpu.memory_space<vmem_shared>> -> memref<128x128xf32, #tpu.memory_space<vmem_shared>>
        %dma_start3A_160 = arith.constant 0 : i32
        %dma_start3A_161 = arith.constant 0 : i32
        %dma_start3A_162 = tpu.memref_slice %arg8[%run_scoped3A_149, %dma_start3A_160, %dma_start3A_161] : memref<2x128x128xf32, #tpu.memory_space<vmem>> -> memref<1x128x128xf32, #tpu.memory_space<vmem>>
        %dma_start3A_163 = tpu.memref_squeeze %dma_start3A_162 : memref<1x128x128xf32, #tpu.memory_space<vmem>> -> memref<128x128xf32, #tpu.memory_space<vmem>>
        tpu.enqueue_dma source(%dma_start3A_163 : memref<128x128xf32, #tpu.memory_space<vmem>>) target(%dma_start3A_159 : memref<128x128xf32, #tpu.memory_space<vmem_shared>>) target_semaphore(%run_scoped3A_151 : memref<!tpu.dma_semaphore, #tpu.memory_space<semaphore_mem>>)
        %dma_wait3A_164 = arith.constant 0 : i32
        %dma_wait3A_165 = arith.constant 0 : i32
        %dma_wait3A_166 = tpu.memref_slice %arg8[%run_scoped3A_149, %dma_wait3A_164, %dma_wait3A_165] : memref<2x128x128xf32, #tpu.memory_space<vmem>> -> memref<1x128x128xf32, #tpu.memory_space<vmem>>
        %dma_wait3A_167 = tpu.memref_squeeze %dma_wait3A_166 : memref<1x128x128xf32, #tpu.memory_space<vmem>> -> memref<128x128xf32, #tpu.memory_space<vmem>>
        %dma_wait3A_168 = arith.constant 0 : i32
        %dma_wait3A_169 = tpu.memref_slice %arg9[%add3A_148, %dma_wait3A_168] : memref<10016x128xf32, #tpu.memory_space<vmem_shared>> -> memref<128x128xf32, #tpu.memory_space<vmem_shared>>
        %dma_wait3A_170 = arith.constant 0 : i32
        %dma_wait3A_171 = tpu.memref_slice %arg9[%add3A_148, %dma_wait3A_170] : memref<10016x128xf32, #tpu.memory_space<vmem_shared>> -> memref<128x128xf32, #tpu.memory_space<vmem_shared>>
        %dma_wait3A_172 = arith.constant 0 : i32
        %dma_wait3A_173 = arith.constant 0 : i32
        %dma_wait3A_174 = tpu.memref_slice %arg8[%run_scoped3A_149, %dma_wait3A_172, %dma_wait3A_173] : memref<2x128x128xf32, #tpu.memory_space<vmem>> -> memref<1x128x128xf32, #tpu.memory_space<vmem>>
        %dma_wait3A_175 = tpu.memref_squeeze %dma_wait3A_174 : memref<1x128x128xf32, #tpu.memory_space<vmem>> -> memref<128x128xf32, #tpu.memory_space<vmem>>
        tpu.wait_dma2 semaphore(%run_scoped3A_151 : memref<!tpu.dma_semaphore, #tpu.memory_space<semaphore_mem>>) src(%dma_wait3A_175 : memref<128x128xf32, #tpu.memory_space<vmem>>) dst(%dma_wait3A_171 : memref<128x128xf32, #tpu.memory_space<vmem_shared>>)
        tpu.yield
      }) : () -> ()
      %scan3A_150 = arith.constant 0 : i32
      scf.yield %scan3A_150 : i32
    }
    %scan3A_34 = arith.constant 4 : i32
    %mul3A_35 = arith.constant 626 : i32
    %mul3A_36 = arith.muli %arg1, %mul3A_35 : i32
    %add3A_37 = arith.constant 626 : i32
    %add3A_38 = arith.addi %mul3A_36, %add3A_37 : i32
    %sub3A = arith.constant 114 : i32
    %sub3A_39 = arith.subi %add3A_38, %sub3A : i32
    %run_scoped3A = arith.constant 0 : i32
    "tpu.region"() ({
      %run_scoped3A_142 = tpu.sem_alloc : memref<!tpu.dma_semaphore, #tpu.memory_space<semaphore_mem>>
      %dma_start3A_143 = arith.constant 0 : i32
      %dma_start3A_144 = arith.constant 0 : i32
      %dma_start3A_145 = tpu.memref_slice %arg8[%run_scoped3A, %dma_start3A_143, %dma_start3A_144] : memref<2x128x128xf32, #tpu.memory_space<vmem>> -> memref<1x114x128xf32, #tpu.memory_space<vmem>>
      %dma_start3A_146 = tpu.memref_squeeze %dma_start3A_145 : memref<1x114x128xf32, #tpu.memory_space<vmem>> -> memref<114x128xf32, #tpu.memory_space<vmem>>
      %dma_start3A_147 = arith.constant 0 : i32
      %dma_start3A_148 = tpu.memref_slice %arg9[%sub3A_39, %dma_start3A_147] : memref<10016x128xf32, #tpu.memory_space<vmem_shared>> -> memref<114x128xf32, #tpu.memory_space<vmem_shared>>
      %dma_start3A_149 = arith.constant 0 : i32
      %dma_start3A_150 = tpu.memref_slice %arg9[%sub3A_39, %dma_start3A_149] : memref<10016x128xf32, #tpu.memory_space<vmem_shared>> -> memref<114x128xf32, #tpu.memory_space<vmem_shared>>
      %dma_start3A_151 = arith.constant 0 : i32
      %dma_start3A_152 = arith.constant 0 : i32
      %dma_start3A_153 = tpu.memref_slice %arg8[%run_scoped3A, %dma_start3A_151, %dma_start3A_152] : memref<2x128x128xf32, #tpu.memory_space<vmem>> -> memref<1x114x128xf32, #tpu.memory_space<vmem>>
      %dma_start3A_154 = tpu.memref_squeeze %dma_start3A_153 : memref<1x114x128xf32, #tpu.memory_space<vmem>> -> memref<114x128xf32, #tpu.memory_space<vmem>>
      tpu.enqueue_dma source(%dma_start3A_154 : memref<114x128xf32, #tpu.memory_space<vmem>>) target(%dma_start3A_150 : memref<114x128xf32, #tpu.memory_space<vmem_shared>>) target_semaphore(%run_scoped3A_142 : memref<!tpu.dma_semaphore, #tpu.memory_space<semaphore_mem>>)
      %dma_wait3A_155 = arith.constant 0 : i32
      %dma_wait3A_156 = arith.constant 0 : i32
      %dma_wait3A_157 = tpu.memref_slice %arg8[%run_scoped3A, %dma_wait3A_155, %dma_wait3A_156] : memref<2x128x128xf32, #tpu.memory_space<vmem>> -> memref<1x114x128xf32, #tpu.memory_space<vmem>>
      %dma_wait3A_158 = tpu.memref_squeeze %dma_wait3A_157 : memref<1x114x128xf32, #tpu.memory_space<vmem>> -> memref<114x128xf32, #tpu.memory_space<vmem>>
      %dma_wait3A_159 = arith.constant 0 : i32
      %dma_wait3A_160 = tpu.memref_slice %arg9[%sub3A_39, %dma_wait3A_159] : memref<10016x128xf32, #tpu.memory_space<vmem_shared>> -> memref<114x128xf32, #tpu.memory_space<vmem_shared>>
      %dma_wait3A_161 = arith.constant 0 : i32
      %dma_wait3A_162 = tpu.memref_slice %arg9[%sub3A_39, %dma_wait3A_161] : memref<10016x128xf32, #tpu.memory_space<vmem_shared>> -> memref<114x128xf32, #tpu.memory_space<vmem_shared>>
      %dma_wait3A_163 = arith.constant 0 : i32
      %dma_wait3A_164 = arith.constant 0 : i32
      %dma_wait3A_165 = tpu.memref_slice %arg8[%run_scoped3A, %dma_wait3A_163, %dma_wait3A_164] : memref<2x128x128xf32, #tpu.memory_space<vmem>> -> memref<1x114x128xf32, #tpu.memory_space<vmem>>
      %dma_wait3A_166 = tpu.memref_squeeze %dma_wait3A_165 : memref<1x114x128xf32, #tpu.memory_space<vmem>> -> memref<114x128xf32, #tpu.memory_space<vmem>>
      tpu.wait_dma2 semaphore(%run_scoped3A_142 : memref<!tpu.dma_semaphore, #tpu.memory_space<semaphore_mem>>) src(%dma_wait3A_166 : memref<114x128xf32, #tpu.memory_space<vmem>>) dst(%dma_wait3A_162 : memref<114x128xf32, #tpu.memory_space<vmem_shared>>)
      tpu.yield
    }) : () -> ()
    %dma_wait3A = arith.constant 0 : i32
    %dma_wait3A_40 = arith.constant 0 : i32
    %dma_wait3A_41 = arith.constant 0 : i32
    %dma_wait3A_42 = tpu.memref_slice %arg3[%add3A, %dma_wait3A_40, %dma_wait3A_41] : memref<32x80x128xi32, #tpu.memory_space<hbm>> -> memref<1x40x128xi32, #tpu.memory_space<hbm>>
    %dma_wait3A_43 = tpu.memref_squeeze %dma_wait3A_42 : memref<1x40x128xi32, #tpu.memory_space<hbm>> -> memref<40x128xi32, #tpu.memory_space<hbm>>
    %dma_wait3A_44 = tpu.memref_slice %arg11[%dma_wait3A] : memref<2x!tpu.dma_semaphore, #tpu.memory_space<semaphore_mem>> -> memref<1x!tpu.dma_semaphore, #tpu.memory_space<semaphore_mem>>
    %dma_wait3A_45 = tpu.memref_squeeze %dma_wait3A_44 : memref<1x!tpu.dma_semaphore, #tpu.memory_space<semaphore_mem>> -> memref<!tpu.dma_semaphore, #tpu.memory_space<semaphore_mem>>
    %dma_wait3A_46 = arith.constant 0 : i32
    %dma_wait3A_47 = arith.constant 0 : i32
    %dma_wait3A_48 = tpu.memref_slice %arg3[%add3A, %dma_wait3A_46, %dma_wait3A_47] : memref<32x80x128xi32, #tpu.memory_space<hbm>> -> memref<1x40x128xi32, #tpu.memory_space<hbm>>
    %dma_wait3A_49 = tpu.memref_squeeze %dma_wait3A_48 : memref<1x40x128xi32, #tpu.memory_space<hbm>> -> memref<40x128xi32, #tpu.memory_space<hbm>>
    tpu.wait_dma2 semaphore(%dma_wait3A_45 : memref<!tpu.dma_semaphore, #tpu.memory_space<semaphore_mem>>) src(%dma_wait3A_49 : memref<40x128xi32, #tpu.memory_space<hbm>>) dst(%arg6 : memref<40x128xi32, #tpu.memory_space<vmem>>)
    %dma_wait3A_50 = arith.constant 1 : i32
    %dma_wait3A_51 = arith.constant 0 : i32
    %dma_wait3A_52 = arith.constant 0 : i32
    %dma_wait3A_53 = tpu.memref_slice %arg4[%add3A, %dma_wait3A_51, %dma_wait3A_52] : memref<32x80x128xi32, #tpu.memory_space<hbm>> -> memref<1x40x128xi32, #tpu.memory_space<hbm>>
    %dma_wait3A_54 = tpu.memref_squeeze %dma_wait3A_53 : memref<1x40x128xi32, #tpu.memory_space<hbm>> -> memref<40x128xi32, #tpu.memory_space<hbm>>
    %dma_wait3A_55 = tpu.memref_slice %arg11[%dma_wait3A_50] : memref<2x!tpu.dma_semaphore, #tpu.memory_space<semaphore_mem>> -> memref<1x!tpu.dma_semaphore, #tpu.memory_space<semaphore_mem>>
    %dma_wait3A_56 = tpu.memref_squeeze %dma_wait3A_55 : memref<1x!tpu.dma_semaphore, #tpu.memory_space<semaphore_mem>> -> memref<!tpu.dma_semaphore, #tpu.memory_space<semaphore_mem>>
    %dma_wait3A_57 = arith.constant 0 : i32
    %dma_wait3A_58 = arith.constant 0 : i32
    %dma_wait3A_59 = tpu.memref_slice %arg4[%add3A, %dma_wait3A_57, %dma_wait3A_58] : memref<32x80x128xi32, #tpu.memory_space<hbm>> -> memref<1x40x128xi32, #tpu.memory_space<hbm>>
    %dma_wait3A_60 = tpu.memref_squeeze %dma_wait3A_59 : memref<1x40x128xi32, #tpu.memory_space<hbm>> -> memref<40x128xi32, #tpu.memory_space<hbm>>
    tpu.wait_dma2 semaphore(%dma_wait3A_56 : memref<!tpu.dma_semaphore, #tpu.memory_space<semaphore_mem>>) src(%dma_wait3A_60 : memref<40x128xi32, #tpu.memory_space<hbm>>) dst(%arg7 : memref<40x128xi32, #tpu.memory_space<vmem>>)
    %dma_start3A_61 = arith.constant 0 : i32
    %dma_start3A_62 = arith.constant 0 : i32
    %dma_start3A_63 = arith.constant 0 : i32
    %dma_start3A_64 = arith.constant 0 : i32
    %dma_start3A_65 = arith.constant 0 : i32
    %dma_start3A_66 = tpu.memref_slice %arg8[%dma_start3A_62, %dma_start3A_64, %dma_start3A_65] : memref<2x128x128xf32, #tpu.memory_space<vmem>> -> memref<1x128x128xf32, #tpu.memory_space<vmem>>
    %dma_start3A_67 = tpu.memref_squeeze %dma_start3A_66 : memref<1x128x128xf32, #tpu.memory_space<vmem>> -> memref<128x128xf32, #tpu.memory_space<vmem>>
    %dma_start3A_68 = arith.constant 0 : i32
    %dma_start3A_69 = tpu.memref_slice %arg6[%dma_start3A_61, %dma_start3A_68] : memref<40x128xi32, #tpu.memory_space<vmem>> -> memref<1x128xi32, #tpu.memory_space<vmem>>
    %dma_start3A_70 = tpu.memref_squeeze %dma_start3A_69 : memref<1x128xi32, #tpu.memory_space<vmem>> -> memref<128xi32, #tpu.memory_space<vmem>>
    %dma_start3A_71 = arith.constant 0 : i32
    %dma_start3A_72 = arith.constant 0 : i32
    %dma_start3A_73 = tpu.memref_slice %arg2[%dma_start3A_71, %dma_start3A_72] : memref<10000x128xf32, #tpu.memory_space<hbm>> -> memref<10000x128xf32, #tpu.memory_space<hbm>>
    %dma_start3A_74 = tpu.memref_slice %arg10[%dma_start3A_63] : memref<2x!tpu.dma_semaphore, #tpu.memory_space<semaphore_mem>> -> memref<1x!tpu.dma_semaphore, #tpu.memory_space<semaphore_mem>>
    %dma_start3A_75 = tpu.memref_squeeze %dma_start3A_74 : memref<1x!tpu.dma_semaphore, #tpu.memory_space<semaphore_mem>> -> memref<!tpu.dma_semaphore, #tpu.memory_space<semaphore_mem>>
    tpu.enqueue_indirect_dma source(%dma_start3A_73 : memref<10000x128xf32, #tpu.memory_space<hbm>>) target(%dma_start3A_67 : memref<128x128xf32, #tpu.memory_space<vmem>>) offsets(%dma_start3A_70 : memref<128xi32, #tpu.memory_space<vmem>>) semaphore(%dma_start3A_75 : memref<!tpu.dma_semaphore, #tpu.memory_space<semaphore_mem>>)
    %dma_start3A_76 = arith.constant 1 : i32
    %dma_start3A_77 = arith.constant 1 : i32
    %dma_start3A_78 = arith.constant 1 : i32
    %dma_start3A_79 = arith.constant 0 : i32
    %dma_start3A_80 = arith.constant 0 : i32
    %dma_start3A_81 = tpu.memref_slice %arg8[%dma_start3A_77, %dma_start3A_79, %dma_start3A_80] : memref<2x128x128xf32, #tpu.memory_space<vmem>> -> memref<1x128x128xf32, #tpu.memory_space<vmem>>
    %dma_start3A_82 = tpu.memref_squeeze %dma_start3A_81 : memref<1x128x128xf32, #tpu.memory_space<vmem>> -> memref<128x128xf32, #tpu.memory_space<vmem>>
    %dma_start3A_83 = arith.constant 0 : i32
    %dma_start3A_84 = tpu.memref_slice %arg6[%dma_start3A_76, %dma_start3A_83] : memref<40x128xi32, #tpu.memory_space<vmem>> -> memref<1x128xi32, #tpu.memory_space<vmem>>
    %dma_start3A_85 = tpu.memref_squeeze %dma_start3A_84 : memref<1x128xi32, #tpu.memory_space<vmem>> -> memref<128xi32, #tpu.memory_space<vmem>>
    %dma_start3A_86 = arith.constant 0 : i32
    %dma_start3A_87 = arith.constant 0 : i32
    %dma_start3A_88 = tpu.memref_slice %arg2[%dma_start3A_86, %dma_start3A_87] : memref<10000x128xf32, #tpu.memory_space<hbm>> -> memref<10000x128xf32, #tpu.memory_space<hbm>>
    %dma_start3A_89 = tpu.memref_slice %arg10[%dma_start3A_78] : memref<2x!tpu.dma_semaphore, #tpu.memory_space<semaphore_mem>> -> memref<1x!tpu.dma_semaphore, #tpu.memory_space<semaphore_mem>>
    %dma_start3A_90 = tpu.memref_squeeze %dma_start3A_89 : memref<1x!tpu.dma_semaphore, #tpu.memory_space<semaphore_mem>> -> memref<!tpu.dma_semaphore, #tpu.memory_space<semaphore_mem>>
    tpu.enqueue_indirect_dma source(%dma_start3A_88 : memref<10000x128xf32, #tpu.memory_space<hbm>>) target(%dma_start3A_82 : memref<128x128xf32, #tpu.memory_space<vmem>>) offsets(%dma_start3A_85 : memref<128xi32, #tpu.memory_space<vmem>>) semaphore(%dma_start3A_90 : memref<!tpu.dma_semaphore, #tpu.memory_space<semaphore_mem>>)
    %barrier3A = arith.constant 0 : index
    tpu.barrier barrier_id(%barrier3A)
    %scan3A_91 = arith.constant 0 : i32
    %scan3A_92 = arith.constant 0 : i32
    %scan3A_93 = arith.constant 20 : i32
    %scan3A_94 = arith.addi %scan3A_92, %scan3A_93 : i32
    %scan3A_95 = arith.constant 1 : i32
    %scan3A_96 = scf.for %scan3A_142 = %scan3A_92 to %scan3A_94 step %scan3A_95 iter_args(%scan3A_143 = %scan3A_91) -> (i32)  : i32 {
      %mul3A_144 = arith.constant 2 : i32
      %mul3A_145 = arith.muli %scan3A_142, %mul3A_144 : i32
      %add3A_146 = arith.constant 0 : i32
      %add3A_147 = arith.addi %mul3A_145, %add3A_146 : i32
      %dma_wait3A_148 = arith.constant 0 : i32
      %dma_wait3A_149 = arith.constant 0 : i32
      %dma_wait3A_150 = arith.constant 0 : i32
      %dma_wait3A_151 = arith.constant 0 : i32
      %dma_wait3A_152 = arith.constant 0 : i32
      %dma_wait3A_153 = tpu.memref_slice %arg8[%dma_wait3A_149, %dma_wait3A_151, %dma_wait3A_152] : memref<2x128x128xf32, #tpu.memory_space<vmem>> -> memref<1x128x128xf32, #tpu.memory_space<vmem>>
      %dma_wait3A_154 = tpu.memref_squeeze %dma_wait3A_153 : memref<1x128x128xf32, #tpu.memory_space<vmem>> -> memref<128x128xf32, #tpu.memory_space<vmem>>
      %dma_wait3A_155 = arith.constant 0 : i32
      %dma_wait3A_156 = tpu.memref_slice %arg6[%dma_wait3A_148, %dma_wait3A_155] : memref<40x128xi32, #tpu.memory_space<vmem>> -> memref<1x128xi32, #tpu.memory_space<vmem>>
      %dma_wait3A_157 = tpu.memref_squeeze %dma_wait3A_156 : memref<1x128xi32, #tpu.memory_space<vmem>> -> memref<128xi32, #tpu.memory_space<vmem>>
      %dma_wait3A_158 = arith.constant 0 : i32
      %dma_wait3A_159 = arith.constant 0 : i32
      %dma_wait3A_160 = tpu.memref_slice %arg2[%dma_wait3A_158, %dma_wait3A_159] : memref<10000x128xf32, #tpu.memory_space<hbm>> -> memref<10000x128xf32, #tpu.memory_space<hbm>>
      %dma_wait3A_161 = tpu.memref_slice %arg10[%dma_wait3A_150] : memref<2x!tpu.dma_semaphore, #tpu.memory_space<semaphore_mem>> -> memref<1x!tpu.dma_semaphore, #tpu.memory_space<semaphore_mem>>
      %dma_wait3A_162 = tpu.memref_squeeze %dma_wait3A_161 : memref<1x!tpu.dma_semaphore, #tpu.memory_space<semaphore_mem>> -> memref<!tpu.dma_semaphore, #tpu.memory_space<semaphore_mem>>
      tpu.wait_indirect_dma semaphore(%dma_wait3A_162 : memref<!tpu.dma_semaphore, #tpu.memory_space<semaphore_mem>>) src(%dma_wait3A_160 : memref<10000x128xf32, #tpu.memory_space<hbm>>) dst(%dma_wait3A_154 : memref<128x128xf32, #tpu.memory_space<vmem>>)
      %run_scoped3A_163 = arith.constant 0 : i32
      "tpu.region"() ({
        %run_scoped3A_198 = tpu.sem_alloc : memref<!tpu.dma_semaphore, #tpu.memory_space<semaphore_mem>>
        %dma_start3A_199 = arith.constant 0 : i32
        %dma_start3A_200 = arith.constant 0 : i32
        %dma_start3A_201 = tpu.memref_slice %arg8[%run_scoped3A_163, %dma_start3A_199, %dma_start3A_200] : memref<2x128x128xf32, #tpu.memory_space<vmem>> -> memref<1x128x128xf32, #tpu.memory_space<vmem>>
        %dma_start3A_202 = tpu.memref_squeeze %dma_start3A_201 : memref<1x128x128xf32, #tpu.memory_space<vmem>> -> memref<128x128xf32, #tpu.memory_space<vmem>>
        %dma_start3A_203 = arith.constant 0 : i32
        %dma_start3A_204 = tpu.memref_slice %arg7[%add3A_147, %dma_start3A_203] : memref<40x128xi32, #tpu.memory_space<vmem>> -> memref<1x128xi32, #tpu.memory_space<vmem>>
        %dma_start3A_205 = tpu.memref_squeeze %dma_start3A_204 : memref<1x128xi32, #tpu.memory_space<vmem>> -> memref<128xi32, #tpu.memory_space<vmem>>
        %dma_start3A_206 = arith.constant 0 : i32
        %dma_start3A_207 = arith.constant 0 : i32
        %dma_start3A_208 = tpu.memref_slice %arg9[%dma_start3A_206, %dma_start3A_207] : memref<10016x128xf32, #tpu.memory_space<vmem_shared>> -> memref<10016x128xf32, #tpu.memory_space<vmem_shared>>
        tpu.enqueue_indirect_dma source(%dma_start3A_202 : memref<128x128xf32, #tpu.memory_space<vmem>>) target(%dma_start3A_208 : memref<10016x128xf32, #tpu.memory_space<vmem_shared>>) offsets(%dma_start3A_205 : memref<128xi32, #tpu.memory_space<vmem>>) semaphore(%run_scoped3A_198 : memref<!tpu.dma_semaphore, #tpu.memory_space<semaphore_mem>>) {add = true}
        %dma_wait3A_209 = arith.constant 0 : i32
        %dma_wait3A_210 = arith.constant 0 : i32
        %dma_wait3A_211 = tpu.memref_slice %arg8[%run_scoped3A_163, %dma_wait3A_209, %dma_wait3A_210] : memref<2x128x128xf32, #tpu.memory_space<vmem>> -> memref<1x128x128xf32, #tpu.memory_space<vmem>>
        %dma_wait3A_212 = tpu.memref_squeeze %dma_wait3A_211 : memref<1x128x128xf32, #tpu.memory_space<vmem>> -> memref<128x128xf32, #tpu.memory_space<vmem>>
        %dma_wait3A_213 = arith.constant 0 : i32
        %dma_wait3A_214 = tpu.memref_slice %arg7[%add3A_147, %dma_wait3A_213] : memref<40x128xi32, #tpu.memory_space<vmem>> -> memref<1x128xi32, #tpu.memory_space<vmem>>
        %dma_wait3A_215 = tpu.memref_squeeze %dma_wait3A_214 : memref<1x128xi32, #tpu.memory_space<vmem>> -> memref<128xi32, #tpu.memory_space<vmem>>
        %dma_wait3A_216 = arith.constant 0 : i32
        %dma_wait3A_217 = arith.constant 0 : i32
        %dma_wait3A_218 = tpu.memref_slice %arg9[%dma_wait3A_216, %dma_wait3A_217] : memref<10016x128xf32, #tpu.memory_space<vmem_shared>> -> memref<10016x128xf32, #tpu.memory_space<vmem_shared>>
        tpu.wait_indirect_dma semaphore(%run_scoped3A_198 : memref<!tpu.dma_semaphore, #tpu.memory_space<semaphore_mem>>) src(%dma_wait3A_212 : memref<128x128xf32, #tpu.memory_space<vmem>>) dst(%dma_wait3A_218 : memref<10016x128xf32, #tpu.memory_space<vmem_shared>>)
        tpu.yield
      }) : () -> ()
      %add3A_164 = arith.constant 2 : i32
      %add3A_165 = arith.addi %add3A_147, %add3A_164 : i32
      %lt3A = arith.constant 40 : i32
      %lt3A_166 = arith.cmpi slt, %add3A_165, %lt3A : i32
      %convert_element_type3A_167 = arith.extui %lt3A_166 : i1 to i32
      %cond3A_168 = arith.constant 0 : i32
      %cond3A_169 = arith.cmpi ne, %convert_element_type3A_167, %cond3A_168 : i32
      scf.if %cond3A_169 {
        %add3A_198 = arith.constant 2 : i32
        %add3A_199 = arith.addi %add3A_147, %add3A_198 : i32
        %dma_start3A_200 = arith.constant 0 : i32
        %dma_start3A_201 = arith.constant 0 : i32
        %dma_start3A_202 = arith.constant 0 : i32
        %dma_start3A_203 = arith.constant 0 : i32
        %dma_start3A_204 = tpu.memref_slice %arg8[%dma_start3A_200, %dma_start3A_202, %dma_start3A_203] : memref<2x128x128xf32, #tpu.memory_space<vmem>> -> memref<1x128x128xf32, #tpu.memory_space<vmem>>
        %dma_start3A_205 = tpu.memref_squeeze %dma_start3A_204 : memref<1x128x128xf32, #tpu.memory_space<vmem>> -> memref<128x128xf32, #tpu.memory_space<vmem>>
        %dma_start3A_206 = arith.constant 0 : i32
        %dma_start3A_207 = tpu.memref_slice %arg6[%add3A_199, %dma_start3A_206] : memref<40x128xi32, #tpu.memory_space<vmem>> -> memref<1x128xi32, #tpu.memory_space<vmem>>
        %dma_start3A_208 = tpu.memref_squeeze %dma_start3A_207 : memref<1x128xi32, #tpu.memory_space<vmem>> -> memref<128xi32, #tpu.memory_space<vmem>>
        %dma_start3A_209 = arith.constant 0 : i32
        %dma_start3A_210 = arith.constant 0 : i32
        %dma_start3A_211 = tpu.memref_slice %arg2[%dma_start3A_209, %dma_start3A_210] : memref<10000x128xf32, #tpu.memory_space<hbm>> -> memref<10000x128xf32, #tpu.memory_space<hbm>>
        %dma_start3A_212 = tpu.memref_slice %arg10[%dma_start3A_201] : memref<2x!tpu.dma_semaphore, #tpu.memory_space<semaphore_mem>> -> memref<1x!tpu.dma_semaphore, #tpu.memory_space<semaphore_mem>>
        %dma_start3A_213 = tpu.memref_squeeze %dma_start3A_212 : memref<1x!tpu.dma_semaphore, #tpu.memory_space<semaphore_mem>> -> memref<!tpu.dma_semaphore, #tpu.memory_space<semaphore_mem>>
        tpu.enqueue_indirect_dma source(%dma_start3A_211 : memref<10000x128xf32, #tpu.memory_space<hbm>>) target(%dma_start3A_205 : memref<128x128xf32, #tpu.memory_space<vmem>>) offsets(%dma_start3A_208 : memref<128xi32, #tpu.memory_space<vmem>>) semaphore(%dma_start3A_213 : memref<!tpu.dma_semaphore, #tpu.memory_space<semaphore_mem>>)
      } else {
      }
      %mul3A_170 = arith.constant 2 : i32
      %mul3A_171 = arith.muli %scan3A_142, %mul3A_170 : i32
      %add3A_172 = arith.constant 1 : i32
      %add3A_173 = arith.addi %mul3A_171, %add3A_172 : i32
      %dma_wait3A_174 = arith.constant 0 : i32
      %dma_wait3A_175 = arith.constant 1 : i32
      %dma_wait3A_176 = arith.constant 1 : i32
      %dma_wait3A_177 = arith.constant 0 : i32
      %dma_wait3A_178 = arith.constant 0 : i32
      %dma_wait3A_179 = tpu.memref_slice %arg8[%dma_wait3A_175, %dma_wait3A_177, %dma_wait3A_178] : memref<2x128x128xf32, #tpu.memory_space<vmem>> -> memref<1x128x128xf32, #tpu.memory_space<vmem>>
      %dma_wait3A_180 = tpu.memref_squeeze %dma_wait3A_179 : memref<1x128x128xf32, #tpu.memory_space<vmem>> -> memref<128x128xf32, #tpu.memory_space<vmem>>
      %dma_wait3A_181 = arith.constant 0 : i32
      %dma_wait3A_182 = tpu.memref_slice %arg6[%dma_wait3A_174, %dma_wait3A_181] : memref<40x128xi32, #tpu.memory_space<vmem>> -> memref<1x128xi32, #tpu.memory_space<vmem>>
      %dma_wait3A_183 = tpu.memref_squeeze %dma_wait3A_182 : memref<1x128xi32, #tpu.memory_space<vmem>> -> memref<128xi32, #tpu.memory_space<vmem>>
      %dma_wait3A_184 = arith.constant 0 : i32
      %dma_wait3A_185 = arith.constant 0 : i32
      %dma_wait3A_186 = tpu.memref_slice %arg2[%dma_wait3A_184, %dma_wait3A_185] : memref<10000x128xf32, #tpu.memory_space<hbm>> -> memref<10000x128xf32, #tpu.memory_space<hbm>>
      %dma_wait3A_187 = tpu.memref_slice %arg10[%dma_wait3A_176] : memref<2x!tpu.dma_semaphore, #tpu.memory_space<semaphore_mem>> -> memref<1x!tpu.dma_semaphore, #tpu.memory_space<semaphore_mem>>
      %dma_wait3A_188 = tpu.memref_squeeze %dma_wait3A_187 : memref<1x!tpu.dma_semaphore, #tpu.memory_space<semaphore_mem>> -> memref<!tpu.dma_semaphore, #tpu.memory_space<semaphore_mem>>
      tpu.wait_indirect_dma semaphore(%dma_wait3A_188 : memref<!tpu.dma_semaphore, #tpu.memory_space<semaphore_mem>>) src(%dma_wait3A_186 : memref<10000x128xf32, #tpu.memory_space<hbm>>) dst(%dma_wait3A_180 : memref<128x128xf32, #tpu.memory_space<vmem>>)
      %run_scoped3A_189 = arith.constant 1 : i32
      "tpu.region"() ({
        %run_scoped3A_198 = tpu.sem_alloc : memref<!tpu.dma_semaphore, #tpu.memory_space<semaphore_mem>>
        %dma_start3A_199 = arith.constant 0 : i32
        %dma_start3A_200 = arith.constant 0 : i32
        %dma_start3A_201 = tpu.memref_slice %arg8[%run_scoped3A_189, %dma_start3A_199, %dma_start3A_200] : memref<2x128x128xf32, #tpu.memory_space<vmem>> -> memref<1x128x128xf32, #tpu.memory_space<vmem>>
        %dma_start3A_202 = tpu.memref_squeeze %dma_start3A_201 : memref<1x128x128xf32, #tpu.memory_space<vmem>> -> memref<128x128xf32, #tpu.memory_space<vmem>>
        %dma_start3A_203 = arith.constant 0 : i32
        %dma_start3A_204 = tpu.memref_slice %arg7[%add3A_173, %dma_start3A_203] : memref<40x128xi32, #tpu.memory_space<vmem>> -> memref<1x128xi32, #tpu.memory_space<vmem>>
        %dma_start3A_205 = tpu.memref_squeeze %dma_start3A_204 : memref<1x128xi32, #tpu.memory_space<vmem>> -> memref<128xi32, #tpu.memory_space<vmem>>
        %dma_start3A_206 = arith.constant 0 : i32
        %dma_start3A_207 = arith.constant 0 : i32
        %dma_start3A_208 = tpu.memref_slice %arg9[%dma_start3A_206, %dma_start3A_207] : memref<10016x128xf32, #tpu.memory_space<vmem_shared>> -> memref<10016x128xf32, #tpu.memory_space<vmem_shared>>
        tpu.enqueue_indirect_dma source(%dma_start3A_202 : memref<128x128xf32, #tpu.memory_space<vmem>>) target(%dma_start3A_208 : memref<10016x128xf32, #tpu.memory_space<vmem_shared>>) offsets(%dma_start3A_205 : memref<128xi32, #tpu.memory_space<vmem>>) semaphore(%run_scoped3A_198 : memref<!tpu.dma_semaphore, #tpu.memory_space<semaphore_mem>>) {add = true}
        %dma_wait3A_209 = arith.constant 0 : i32
        %dma_wait3A_210 = arith.constant 0 : i32
        %dma_wait3A_211 = tpu.memref_slice %arg8[%run_scoped3A_189, %dma_wait3A_209, %dma_wait3A_210] : memref<2x128x128xf32, #tpu.memory_space<vmem>> -> memref<1x128x128xf32, #tpu.memory_space<vmem>>
        %dma_wait3A_212 = tpu.memref_squeeze %dma_wait3A_211 : memref<1x128x128xf32, #tpu.memory_space<vmem>> -> memref<128x128xf32, #tpu.memory_space<vmem>>
        %dma_wait3A_213 = arith.constant 0 : i32
        %dma_wait3A_214 = tpu.memref_slice %arg7[%add3A_173, %dma_wait3A_213] : memref<40x128xi32, #tpu.memory_space<vmem>> -> memref<1x128xi32, #tpu.memory_space<vmem>>
        %dma_wait3A_215 = tpu.memref_squeeze %dma_wait3A_214 : memref<1x128xi32, #tpu.memory_space<vmem>> -> memref<128xi32, #tpu.memory_space<vmem>>
        %dma_wait3A_216 = arith.constant 0 : i32
        %dma_wait3A_217 = arith.constant 0 : i32
        %dma_wait3A_218 = tpu.memref_slice %arg9[%dma_wait3A_216, %dma_wait3A_217] : memref<10016x128xf32, #tpu.memory_space<vmem_shared>> -> memref<10016x128xf32, #tpu.memory_space<vmem_shared>>
        tpu.wait_indirect_dma semaphore(%run_scoped3A_198 : memref<!tpu.dma_semaphore, #tpu.memory_space<semaphore_mem>>) src(%dma_wait3A_212 : memref<128x128xf32, #tpu.memory_space<vmem>>) dst(%dma_wait3A_218 : memref<10016x128xf32, #tpu.memory_space<vmem_shared>>)
        tpu.yield
      }) : () -> ()
      %add3A_190 = arith.constant 2 : i32
      %add3A_191 = arith.addi %add3A_173, %add3A_190 : i32
      %lt3A_192 = arith.constant 40 : i32
      %lt3A_193 = arith.cmpi slt, %add3A_191, %lt3A_192 : i32
      %convert_element_type3A_194 = arith.extui %lt3A_193 : i1 to i32
      %cond3A_195 = arith.constant 0 : i32
      %cond3A_196 = arith.cmpi ne, %convert_element_type3A_194, %cond3A_195 : i32
      scf.if %cond3A_196 {
        %add3A_198 = arith.constant 2 : i32
        %add3A_199 = arith.addi %add3A_173, %add3A_198 : i32
        %dma_start3A_200 = arith.constant 1 : i32
        %dma_start3A_201 = arith.constant 1 : i32
        %dma_start3A_202 = arith.constant 0 : i32
        %dma_start3A_203 = arith.constant 0 : i32
        %dma_start3A_204 = tpu.memref_slice %arg8[%dma_start3A_200, %dma_start3A_202, %dma_start3A_203] : memref<2x128x128xf32, #tpu.memory_space<vmem>> -> memref<1x128x128xf32, #tpu.memory_space<vmem>>
        %dma_start3A_205 = tpu.memref_squeeze %dma_start3A_204 : memref<1x128x128xf32, #tpu.memory_space<vmem>> -> memref<128x128xf32, #tpu.memory_space<vmem>>
        %dma_start3A_206 = arith.constant 0 : i32
        %dma_start3A_207 = tpu.memref_slice %arg6[%add3A_199, %dma_start3A_206] : memref<40x128xi32, #tpu.memory_space<vmem>> -> memref<1x128xi32, #tpu.memory_space<vmem>>
        %dma_start3A_208 = tpu.memref_squeeze %dma_start3A_207 : memref<1x128xi32, #tpu.memory_space<vmem>> -> memref<128xi32, #tpu.memory_space<vmem>>
        %dma_start3A_209 = arith.constant 0 : i32
        %dma_start3A_210 = arith.constant 0 : i32
        %dma_start3A_211 = tpu.memref_slice %arg2[%dma_start3A_209, %dma_start3A_210] : memref<10000x128xf32, #tpu.memory_space<hbm>> -> memref<10000x128xf32, #tpu.memory_space<hbm>>
        %dma_start3A_212 = tpu.memref_slice %arg10[%dma_start3A_201] : memref<2x!tpu.dma_semaphore, #tpu.memory_space<semaphore_mem>> -> memref<1x!tpu.dma_semaphore, #tpu.memory_space<semaphore_mem>>
        %dma_start3A_213 = tpu.memref_squeeze %dma_start3A_212 : memref<1x!tpu.dma_semaphore, #tpu.memory_space<semaphore_mem>> -> memref<!tpu.dma_semaphore, #tpu.memory_space<semaphore_mem>>
        tpu.enqueue_indirect_dma source(%dma_start3A_211 : memref<10000x128xf32, #tpu.memory_space<hbm>>) target(%dma_start3A_205 : memref<128x128xf32, #tpu.memory_space<vmem>>) offsets(%dma_start3A_208 : memref<128xi32, #tpu.memory_space<vmem>>) semaphore(%dma_start3A_213 : memref<!tpu.dma_semaphore, #tpu.memory_space<semaphore_mem>>)
      } else {
      }
      %scan3A_197 = arith.constant 0 : i32
      scf.yield %scan3A_197 : i32
    }
    %scan3A_97 = arith.constant 20 : i32
    "tpu.region"() ({
      %run_scoped3A_142 = tpu.sem_alloc : memref<!tpu.dma_semaphore, #tpu.memory_space<semaphore_mem>>
      %dma_start3A_143 = arith.constant 40 : i32
      %dma_start3A_144 = arith.constant 0 : i32
      %dma_start3A_145 = tpu.memref_slice %arg3[%add3A, %dma_start3A_143, %dma_start3A_144] : memref<32x80x128xi32, #tpu.memory_space<hbm>> -> memref<1x40x128xi32, #tpu.memory_space<hbm>>
      %dma_start3A_146 = tpu.memref_squeeze %dma_start3A_145 : memref<1x40x128xi32, #tpu.memory_space<hbm>> -> memref<40x128xi32, #tpu.memory_space<hbm>>
      %dma_start3A_147 = arith.constant 40 : i32
      %dma_start3A_148 = arith.constant 0 : i32
      %dma_start3A_149 = tpu.memref_slice %arg3[%add3A, %dma_start3A_147, %dma_start3A_148] : memref<32x80x128xi32, #tpu.memory_space<hbm>> -> memref<1x40x128xi32, #tpu.memory_space<hbm>>
      %dma_start3A_150 = tpu.memref_squeeze %dma_start3A_149 : memref<1x40x128xi32, #tpu.memory_space<hbm>> -> memref<40x128xi32, #tpu.memory_space<hbm>>
      tpu.enqueue_dma source(%dma_start3A_150 : memref<40x128xi32, #tpu.memory_space<hbm>>) target(%arg6 : memref<40x128xi32, #tpu.memory_space<vmem>>) target_semaphore(%run_scoped3A_142 : memref<!tpu.dma_semaphore, #tpu.memory_space<semaphore_mem>>)
      %dma_wait3A_151 = arith.constant 40 : i32
      %dma_wait3A_152 = arith.constant 0 : i32
      %dma_wait3A_153 = tpu.memref_slice %arg3[%add3A, %dma_wait3A_151, %dma_wait3A_152] : memref<32x80x128xi32, #tpu.memory_space<hbm>> -> memref<1x40x128xi32, #tpu.memory_space<hbm>>
      %dma_wait3A_154 = tpu.memref_squeeze %dma_wait3A_153 : memref<1x40x128xi32, #tpu.memory_space<hbm>> -> memref<40x128xi32, #tpu.memory_space<hbm>>
      %dma_wait3A_155 = arith.constant 40 : i32
      %dma_wait3A_156 = arith.constant 0 : i32
      %dma_wait3A_157 = tpu.memref_slice %arg3[%add3A, %dma_wait3A_155, %dma_wait3A_156] : memref<32x80x128xi32, #tpu.memory_space<hbm>> -> memref<1x40x128xi32, #tpu.memory_space<hbm>>
      %dma_wait3A_158 = tpu.memref_squeeze %dma_wait3A_157 : memref<1x40x128xi32, #tpu.memory_space<hbm>> -> memref<40x128xi32, #tpu.memory_space<hbm>>
      tpu.wait_dma2 semaphore(%run_scoped3A_142 : memref<!tpu.dma_semaphore, #tpu.memory_space<semaphore_mem>>) src(%dma_wait3A_158 : memref<40x128xi32, #tpu.memory_space<hbm>>) dst(%arg6 : memref<40x128xi32, #tpu.memory_space<vmem>>)
      tpu.yield
    }) : () -> ()
    "tpu.region"() ({
      %run_scoped3A_142 = tpu.sem_alloc : memref<!tpu.dma_semaphore, #tpu.memory_space<semaphore_mem>>
      %dma_start3A_143 = arith.constant 40 : i32
      %dma_start3A_144 = arith.constant 0 : i32
      %dma_start3A_145 = tpu.memref_slice %arg4[%add3A, %dma_start3A_143, %dma_start3A_144] : memref<32x80x128xi32, #tpu.memory_space<hbm>> -> memref<1x40x128xi32, #tpu.memory_space<hbm>>
      %dma_start3A_146 = tpu.memref_squeeze %dma_start3A_145 : memref<1x40x128xi32, #tpu.memory_space<hbm>> -> memref<40x128xi32, #tpu.memory_space<hbm>>
      %dma_start3A_147 = arith.constant 40 : i32
      %dma_start3A_148 = arith.constant 0 : i32
      %dma_start3A_149 = tpu.memref_slice %arg4[%add3A, %dma_start3A_147, %dma_start3A_148] : memref<32x80x128xi32, #tpu.memory_space<hbm>> -> memref<1x40x128xi32, #tpu.memory_space<hbm>>
      %dma_start3A_150 = tpu.memref_squeeze %dma_start3A_149 : memref<1x40x128xi32, #tpu.memory_space<hbm>> -> memref<40x128xi32, #tpu.memory_space<hbm>>
      tpu.enqueue_dma source(%dma_start3A_150 : memref<40x128xi32, #tpu.memory_space<hbm>>) target(%arg7 : memref<40x128xi32, #tpu.memory_space<vmem>>) target_semaphore(%run_scoped3A_142 : memref<!tpu.dma_semaphore, #tpu.memory_space<semaphore_mem>>)
      %dma_wait3A_151 = arith.constant 40 : i32
      %dma_wait3A_152 = arith.constant 0 : i32
      %dma_wait3A_153 = tpu.memref_slice %arg4[%add3A, %dma_wait3A_151, %dma_wait3A_152] : memref<32x80x128xi32, #tpu.memory_space<hbm>> -> memref<1x40x128xi32, #tpu.memory_space<hbm>>
      %dma_wait3A_154 = tpu.memref_squeeze %dma_wait3A_153 : memref<1x40x128xi32, #tpu.memory_space<hbm>> -> memref<40x128xi32, #tpu.memory_space<hbm>>
      %dma_wait3A_155 = arith.constant 40 : i32
      %dma_wait3A_156 = arith.constant 0 : i32
      %dma_wait3A_157 = tpu.memref_slice %arg4[%add3A, %dma_wait3A_155, %dma_wait3A_156] : memref<32x80x128xi32, #tpu.memory_space<hbm>> -> memref<1x40x128xi32, #tpu.memory_space<hbm>>
      %dma_wait3A_158 = tpu.memref_squeeze %dma_wait3A_157 : memref<1x40x128xi32, #tpu.memory_space<hbm>> -> memref<40x128xi32, #tpu.memory_space<hbm>>
      tpu.wait_dma2 semaphore(%run_scoped3A_142 : memref<!tpu.dma_semaphore, #tpu.memory_space<semaphore_mem>>) src(%dma_wait3A_158 : memref<40x128xi32, #tpu.memory_space<hbm>>) dst(%arg7 : memref<40x128xi32, #tpu.memory_space<vmem>>)
      tpu.yield
    }) : () -> ()
    %dma_start3A_98 = arith.constant 0 : i32
    %dma_start3A_99 = arith.constant 0 : i32
    %dma_start3A_100 = arith.constant 0 : i32
    %dma_start3A_101 = arith.constant 0 : i32
    %dma_start3A_102 = arith.constant 0 : i32
    %dma_start3A_103 = tpu.memref_slice %arg8[%dma_start3A_99, %dma_start3A_101, %dma_start3A_102] : memref<2x128x128xf32, #tpu.memory_space<vmem>> -> memref<1x128x128xf32, #tpu.memory_space<vmem>>
    %dma_start3A_104 = tpu.memref_squeeze %dma_start3A_103 : memref<1x128x128xf32, #tpu.memory_space<vmem>> -> memref<128x128xf32, #tpu.memory_space<vmem>>
    %dma_start3A_105 = arith.constant 0 : i32
    %dma_start3A_106 = tpu.memref_slice %arg6[%dma_start3A_98, %dma_start3A_105] : memref<40x128xi32, #tpu.memory_space<vmem>> -> memref<1x128xi32, #tpu.memory_space<vmem>>
    %dma_start3A_107 = tpu.memref_squeeze %dma_start3A_106 : memref<1x128xi32, #tpu.memory_space<vmem>> -> memref<128xi32, #tpu.memory_space<vmem>>
    %dma_start3A_108 = arith.constant 0 : i32
    %dma_start3A_109 = arith.constant 0 : i32
    %dma_start3A_110 = tpu.memref_slice %arg2[%dma_start3A_108, %dma_start3A_109] : memref<10000x128xf32, #tpu.memory_space<hbm>> -> memref<10000x128xf32, #tpu.memory_space<hbm>>
    %dma_start3A_111 = tpu.memref_slice %arg10[%dma_start3A_100] : memref<2x!tpu.dma_semaphore, #tpu.memory_space<semaphore_mem>> -> memref<1x!tpu.dma_semaphore, #tpu.memory_space<semaphore_mem>>
    %dma_start3A_112 = tpu.memref_squeeze %dma_start3A_111 : memref<1x!tpu.dma_semaphore, #tpu.memory_space<semaphore_mem>> -> memref<!tpu.dma_semaphore, #tpu.memory_space<semaphore_mem>>
    tpu.enqueue_indirect_dma source(%dma_start3A_110 : memref<10000x128xf32, #tpu.memory_space<hbm>>) target(%dma_start3A_104 : memref<128x128xf32, #tpu.memory_space<vmem>>) offsets(%dma_start3A_107 : memref<128xi32, #tpu.memory_space<vmem>>) semaphore(%dma_start3A_112 : memref<!tpu.dma_semaphore, #tpu.memory_space<semaphore_mem>>)
    %dma_start3A_113 = arith.constant 1 : i32
    %dma_start3A_114 = arith.constant 1 : i32
    %dma_start3A_115 = arith.constant 1 : i32
    %dma_start3A_116 = arith.constant 0 : i32
    %dma_start3A_117 = arith.constant 0 : i32
    %dma_start3A_118 = tpu.memref_slice %arg8[%dma_start3A_114, %dma_start3A_116, %dma_start3A_117] : memref<2x128x128xf32, #tpu.memory_space<vmem>> -> memref<1x128x128xf32, #tpu.memory_space<vmem>>
    %dma_start3A_119 = tpu.memref_squeeze %dma_start3A_118 : memref<1x128x128xf32, #tpu.memory_space<vmem>> -> memref<128x128xf32, #tpu.memory_space<vmem>>
    %dma_start3A_120 = arith.constant 0 : i32
    %dma_start3A_121 = tpu.memref_slice %arg6[%dma_start3A_113, %dma_start3A_120] : memref<40x128xi32, #tpu.memory_space<vmem>> -> memref<1x128xi32, #tpu.memory_space<vmem>>
    %dma_start3A_122 = tpu.memref_squeeze %dma_start3A_121 : memref<1x128xi32, #tpu.memory_space<vmem>> -> memref<128xi32, #tpu.memory_space<vmem>>
    %dma_start3A_123 = arith.constant 0 : i32
    %dma_start3A_124 = arith.constant 0 : i32
    %dma_start3A_125 = tpu.memref_slice %arg2[%dma_start3A_123, %dma_start3A_124] : memref<10000x128xf32, #tpu.memory_space<hbm>> -> memref<10000x128xf32, #tpu.memory_space<hbm>>
    %dma_start3A_126 = tpu.memref_slice %arg10[%dma_start3A_115] : memref<2x!tpu.dma_semaphore, #tpu.memory_space<semaphore_mem>> -> memref<1x!tpu.dma_semaphore, #tpu.memory_space<semaphore_mem>>
    %dma_start3A_127 = tpu.memref_squeeze %dma_start3A_126 : memref<1x!tpu.dma_semaphore, #tpu.memory_space<semaphore_mem>> -> memref<!tpu.dma_semaphore, #tpu.memory_space<semaphore_mem>>
    tpu.enqueue_indirect_dma source(%dma_start3A_125 : memref<10000x128xf32, #tpu.memory_space<hbm>>) target(%dma_start3A_119 : memref<128x128xf32, #tpu.memory_space<vmem>>) offsets(%dma_start3A_122 : memref<128xi32, #tpu.memory_space<vmem>>) semaphore(%dma_start3A_127 : memref<!tpu.dma_semaphore, #tpu.memory_space<semaphore_mem>>)
    %scan3A_128 = arith.constant 0 : i32
    %scan3A_129 = arith.constant 0 : i32
    %scan3A_130 = arith.constant 20 : i32
    %scan3A_131 = arith.addi %scan3A_129, %scan3A_130 : i32
    %scan3A_132 = arith.constant 1 : i32
    %scan3A_133 = scf.for %scan3A_142 = %scan3A_129 to %scan3A_131 step %scan3A_132 iter_args(%scan3A_143 = %scan3A_128) -> (i32)  : i32 {
      %mul3A_144 = arith.constant 2 : i32
      %mul3A_145 = arith.muli %scan3A_142, %mul3A_144 : i32
      %add3A_146 = arith.constant 0 : i32
      %add3A_147 = arith.addi %mul3A_145, %add3A_146 : i32
      %dma_wait3A_148 = arith.constant 0 : i32
      %dma_wait3A_149 = arith.constant 0 : i32
      %dma_wait3A_150 = arith.constant 0 : i32
      %dma_wait3A_151 = arith.constant 0 : i32
      %dma_wait3A_152 = arith.constant 0 : i32
      %dma_wait3A_153 = tpu.memref_slice %arg8[%dma_wait3A_149, %dma_wait3A_151, %dma_wait3A_152] : memref<2x128x128xf32, #tpu.memory_space<vmem>> -> memref<1x128x128xf32, #tpu.memory_space<vmem>>
      %dma_wait3A_154 = tpu.memref_squeeze %dma_wait3A_153 : memref<1x128x128xf32, #tpu.memory_space<vmem>> -> memref<128x128xf32, #tpu.memory_space<vmem>>
      %dma_wait3A_155 = arith.constant 0 : i32
      %dma_wait3A_156 = tpu.memref_slice %arg6[%dma_wait3A_148, %dma_wait3A_155] : memref<40x128xi32, #tpu.memory_space<vmem>> -> memref<1x128xi32, #tpu.memory_space<vmem>>
      %dma_wait3A_157 = tpu.memref_squeeze %dma_wait3A_156 : memref<1x128xi32, #tpu.memory_space<vmem>> -> memref<128xi32, #tpu.memory_space<vmem>>
      %dma_wait3A_158 = arith.constant 0 : i32
      %dma_wait3A_159 = arith.constant 0 : i32
      %dma_wait3A_160 = tpu.memref_slice %arg2[%dma_wait3A_158, %dma_wait3A_159] : memref<10000x128xf32, #tpu.memory_space<hbm>> -> memref<10000x128xf32, #tpu.memory_space<hbm>>
      %dma_wait3A_161 = tpu.memref_slice %arg10[%dma_wait3A_150] : memref<2x!tpu.dma_semaphore, #tpu.memory_space<semaphore_mem>> -> memref<1x!tpu.dma_semaphore, #tpu.memory_space<semaphore_mem>>
      %dma_wait3A_162 = tpu.memref_squeeze %dma_wait3A_161 : memref<1x!tpu.dma_semaphore, #tpu.memory_space<semaphore_mem>> -> memref<!tpu.dma_semaphore, #tpu.memory_space<semaphore_mem>>
      tpu.wait_indirect_dma semaphore(%dma_wait3A_162 : memref<!tpu.dma_semaphore, #tpu.memory_space<semaphore_mem>>) src(%dma_wait3A_160 : memref<10000x128xf32, #tpu.memory_space<hbm>>) dst(%dma_wait3A_154 : memref<128x128xf32, #tpu.memory_space<vmem>>)
      %run_scoped3A_163 = arith.constant 0 : i32
      "tpu.region"() ({
        %run_scoped3A_198 = tpu.sem_alloc : memref<!tpu.dma_semaphore, #tpu.memory_space<semaphore_mem>>
        %dma_start3A_199 = arith.constant 0 : i32
        %dma_start3A_200 = arith.constant 0 : i32
        %dma_start3A_201 = tpu.memref_slice %arg8[%run_scoped3A_163, %dma_start3A_199, %dma_start3A_200] : memref<2x128x128xf32, #tpu.memory_space<vmem>> -> memref<1x128x128xf32, #tpu.memory_space<vmem>>
        %dma_start3A_202 = tpu.memref_squeeze %dma_start3A_201 : memref<1x128x128xf32, #tpu.memory_space<vmem>> -> memref<128x128xf32, #tpu.memory_space<vmem>>
        %dma_start3A_203 = arith.constant 0 : i32
        %dma_start3A_204 = tpu.memref_slice %arg7[%add3A_147, %dma_start3A_203] : memref<40x128xi32, #tpu.memory_space<vmem>> -> memref<1x128xi32, #tpu.memory_space<vmem>>
        %dma_start3A_205 = tpu.memref_squeeze %dma_start3A_204 : memref<1x128xi32, #tpu.memory_space<vmem>> -> memref<128xi32, #tpu.memory_space<vmem>>
        %dma_start3A_206 = arith.constant 0 : i32
        %dma_start3A_207 = arith.constant 0 : i32
        %dma_start3A_208 = tpu.memref_slice %arg9[%dma_start3A_206, %dma_start3A_207] : memref<10016x128xf32, #tpu.memory_space<vmem_shared>> -> memref<10016x128xf32, #tpu.memory_space<vmem_shared>>
        tpu.enqueue_indirect_dma source(%dma_start3A_202 : memref<128x128xf32, #tpu.memory_space<vmem>>) target(%dma_start3A_208 : memref<10016x128xf32, #tpu.memory_space<vmem_shared>>) offsets(%dma_start3A_205 : memref<128xi32, #tpu.memory_space<vmem>>) semaphore(%run_scoped3A_198 : memref<!tpu.dma_semaphore, #tpu.memory_space<semaphore_mem>>) {add = true}
        %dma_wait3A_209 = arith.constant 0 : i32
        %dma_wait3A_210 = arith.constant 0 : i32
        %dma_wait3A_211 = tpu.memref_slice %arg8[%run_scoped3A_163, %dma_wait3A_209, %dma_wait3A_210] : memref<2x128x128xf32, #tpu.memory_space<vmem>> -> memref<1x128x128xf32, #tpu.memory_space<vmem>>
        %dma_wait3A_212 = tpu.memref_squeeze %dma_wait3A_211 : memref<1x128x128xf32, #tpu.memory_space<vmem>> -> memref<128x128xf32, #tpu.memory_space<vmem>>
        %dma_wait3A_213 = arith.constant 0 : i32
        %dma_wait3A_214 = tpu.memref_slice %arg7[%add3A_147, %dma_wait3A_213] : memref<40x128xi32, #tpu.memory_space<vmem>> -> memref<1x128xi32, #tpu.memory_space<vmem>>
        %dma_wait3A_215 = tpu.memref_squeeze %dma_wait3A_214 : memref<1x128xi32, #tpu.memory_space<vmem>> -> memref<128xi32, #tpu.memory_space<vmem>>
        %dma_wait3A_216 = arith.constant 0 : i32
        %dma_wait3A_217 = arith.constant 0 : i32
        %dma_wait3A_218 = tpu.memref_slice %arg9[%dma_wait3A_216, %dma_wait3A_217] : memref<10016x128xf32, #tpu.memory_space<vmem_shared>> -> memref<10016x128xf32, #tpu.memory_space<vmem_shared>>
        tpu.wait_indirect_dma semaphore(%run_scoped3A_198 : memref<!tpu.dma_semaphore, #tpu.memory_space<semaphore_mem>>) src(%dma_wait3A_212 : memref<128x128xf32, #tpu.memory_space<vmem>>) dst(%dma_wait3A_218 : memref<10016x128xf32, #tpu.memory_space<vmem_shared>>)
        tpu.yield
      }) : () -> ()
      %add3A_164 = arith.constant 2 : i32
      %add3A_165 = arith.addi %add3A_147, %add3A_164 : i32
      %lt3A = arith.constant 40 : i32
      %lt3A_166 = arith.cmpi slt, %add3A_165, %lt3A : i32
      %convert_element_type3A_167 = arith.extui %lt3A_166 : i1 to i32
      %cond3A_168 = arith.constant 0 : i32
      %cond3A_169 = arith.cmpi ne, %convert_element_type3A_167, %cond3A_168 : i32
      scf.if %cond3A_169 {
        %add3A_198 = arith.constant 2 : i32
        %add3A_199 = arith.addi %add3A_147, %add3A_198 : i32
        %dma_start3A_200 = arith.constant 0 : i32
        %dma_start3A_201 = arith.constant 0 : i32
        %dma_start3A_202 = arith.constant 0 : i32
        %dma_start3A_203 = arith.constant 0 : i32
        %dma_start3A_204 = tpu.memref_slice %arg8[%dma_start3A_200, %dma_start3A_202, %dma_start3A_203] : memref<2x128x128xf32, #tpu.memory_space<vmem>> -> memref<1x128x128xf32, #tpu.memory_space<vmem>>
        %dma_start3A_205 = tpu.memref_squeeze %dma_start3A_204 : memref<1x128x128xf32, #tpu.memory_space<vmem>> -> memref<128x128xf32, #tpu.memory_space<vmem>>
        %dma_start3A_206 = arith.constant 0 : i32
        %dma_start3A_207 = tpu.memref_slice %arg6[%add3A_199, %dma_start3A_206] : memref<40x128xi32, #tpu.memory_space<vmem>> -> memref<1x128xi32, #tpu.memory_space<vmem>>
        %dma_start3A_208 = tpu.memref_squeeze %dma_start3A_207 : memref<1x128xi32, #tpu.memory_space<vmem>> -> memref<128xi32, #tpu.memory_space<vmem>>
        %dma_start3A_209 = arith.constant 0 : i32
        %dma_start3A_210 = arith.constant 0 : i32
        %dma_start3A_211 = tpu.memref_slice %arg2[%dma_start3A_209, %dma_start3A_210] : memref<10000x128xf32, #tpu.memory_space<hbm>> -> memref<10000x128xf32, #tpu.memory_space<hbm>>
        %dma_start3A_212 = tpu.memref_slice %arg10[%dma_start3A_201] : memref<2x!tpu.dma_semaphore, #tpu.memory_space<semaphore_mem>> -> memref<1x!tpu.dma_semaphore, #tpu.memory_space<semaphore_mem>>
        %dma_start3A_213 = tpu.memref_squeeze %dma_start3A_212 : memref<1x!tpu.dma_semaphore, #tpu.memory_space<semaphore_mem>> -> memref<!tpu.dma_semaphore, #tpu.memory_space<semaphore_mem>>
        tpu.enqueue_indirect_dma source(%dma_start3A_211 : memref<10000x128xf32, #tpu.memory_space<hbm>>) target(%dma_start3A_205 : memref<128x128xf32, #tpu.memory_space<vmem>>) offsets(%dma_start3A_208 : memref<128xi32, #tpu.memory_space<vmem>>) semaphore(%dma_start3A_213 : memref<!tpu.dma_semaphore, #tpu.memory_space<semaphore_mem>>)
      } else {
      }
      %mul3A_170 = arith.constant 2 : i32
      %mul3A_171 = arith.muli %scan3A_142, %mul3A_170 : i32
      %add3A_172 = arith.constant 1 : i32
      %add3A_173 = arith.addi %mul3A_171, %add3A_172 : i32
      %dma_wait3A_174 = arith.constant 0 : i32
      %dma_wait3A_175 = arith.constant 1 : i32
      %dma_wait3A_176 = arith.constant 1 : i32
      %dma_wait3A_177 = arith.constant 0 : i32
      %dma_wait3A_178 = arith.constant 0 : i32
      %dma_wait3A_179 = tpu.memref_slice %arg8[%dma_wait3A_175, %dma_wait3A_177, %dma_wait3A_178] : memref<2x128x128xf32, #tpu.memory_space<vmem>> -> memref<1x128x128xf32, #tpu.memory_space<vmem>>
      %dma_wait3A_180 = tpu.memref_squeeze %dma_wait3A_179 : memref<1x128x128xf32, #tpu.memory_space<vmem>> -> memref<128x128xf32, #tpu.memory_space<vmem>>
      %dma_wait3A_181 = arith.constant 0 : i32
      %dma_wait3A_182 = tpu.memref_slice %arg6[%dma_wait3A_174, %dma_wait3A_181] : memref<40x128xi32, #tpu.memory_space<vmem>> -> memref<1x128xi32, #tpu.memory_space<vmem>>
      %dma_wait3A_183 = tpu.memref_squeeze %dma_wait3A_182 : memref<1x128xi32, #tpu.memory_space<vmem>> -> memref<128xi32, #tpu.memory_space<vmem>>
      %dma_wait3A_184 = arith.constant 0 : i32
      %dma_wait3A_185 = arith.constant 0 : i32
      %dma_wait3A_186 = tpu.memref_slice %arg2[%dma_wait3A_184, %dma_wait3A_185] : memref<10000x128xf32, #tpu.memory_space<hbm>> -> memref<10000x128xf32, #tpu.memory_space<hbm>>
      %dma_wait3A_187 = tpu.memref_slice %arg10[%dma_wait3A_176] : memref<2x!tpu.dma_semaphore, #tpu.memory_space<semaphore_mem>> -> memref<1x!tpu.dma_semaphore, #tpu.memory_space<semaphore_mem>>
      %dma_wait3A_188 = tpu.memref_squeeze %dma_wait3A_187 : memref<1x!tpu.dma_semaphore, #tpu.memory_space<semaphore_mem>> -> memref<!tpu.dma_semaphore, #tpu.memory_space<semaphore_mem>>
      tpu.wait_indirect_dma semaphore(%dma_wait3A_188 : memref<!tpu.dma_semaphore, #tpu.memory_space<semaphore_mem>>) src(%dma_wait3A_186 : memref<10000x128xf32, #tpu.memory_space<hbm>>) dst(%dma_wait3A_180 : memref<128x128xf32, #tpu.memory_space<vmem>>)
      %run_scoped3A_189 = arith.constant 1 : i32
      "tpu.region"() ({
        %run_scoped3A_198 = tpu.sem_alloc : memref<!tpu.dma_semaphore, #tpu.memory_space<semaphore_mem>>
        %dma_start3A_199 = arith.constant 0 : i32
        %dma_start3A_200 = arith.constant 0 : i32
        %dma_start3A_201 = tpu.memref_slice %arg8[%run_scoped3A_189, %dma_start3A_199, %dma_start3A_200] : memref<2x128x128xf32, #tpu.memory_space<vmem>> -> memref<1x128x128xf32, #tpu.memory_space<vmem>>
        %dma_start3A_202 = tpu.memref_squeeze %dma_start3A_201 : memref<1x128x128xf32, #tpu.memory_space<vmem>> -> memref<128x128xf32, #tpu.memory_space<vmem>>
        %dma_start3A_203 = arith.constant 0 : i32
        %dma_start3A_204 = tpu.memref_slice %arg7[%add3A_173, %dma_start3A_203] : memref<40x128xi32, #tpu.memory_space<vmem>> -> memref<1x128xi32, #tpu.memory_space<vmem>>
        %dma_start3A_205 = tpu.memref_squeeze %dma_start3A_204 : memref<1x128xi32, #tpu.memory_space<vmem>> -> memref<128xi32, #tpu.memory_space<vmem>>
        %dma_start3A_206 = arith.constant 0 : i32
        %dma_start3A_207 = arith.constant 0 : i32
        %dma_start3A_208 = tpu.memref_slice %arg9[%dma_start3A_206, %dma_start3A_207] : memref<10016x128xf32, #tpu.memory_space<vmem_shared>> -> memref<10016x128xf32, #tpu.memory_space<vmem_shared>>
        tpu.enqueue_indirect_dma source(%dma_start3A_202 : memref<128x128xf32, #tpu.memory_space<vmem>>) target(%dma_start3A_208 : memref<10016x128xf32, #tpu.memory_space<vmem_shared>>) offsets(%dma_start3A_205 : memref<128xi32, #tpu.memory_space<vmem>>) semaphore(%run_scoped3A_198 : memref<!tpu.dma_semaphore, #tpu.memory_space<semaphore_mem>>) {add = true}
        %dma_wait3A_209 = arith.constant 0 : i32
        %dma_wait3A_210 = arith.constant 0 : i32
        %dma_wait3A_211 = tpu.memref_slice %arg8[%run_scoped3A_189, %dma_wait3A_209, %dma_wait3A_210] : memref<2x128x128xf32, #tpu.memory_space<vmem>> -> memref<1x128x128xf32, #tpu.memory_space<vmem>>
        %dma_wait3A_212 = tpu.memref_squeeze %dma_wait3A_211 : memref<1x128x128xf32, #tpu.memory_space<vmem>> -> memref<128x128xf32, #tpu.memory_space<vmem>>
        %dma_wait3A_213 = arith.constant 0 : i32
        %dma_wait3A_214 = tpu.memref_slice %arg7[%add3A_173, %dma_wait3A_213] : memref<40x128xi32, #tpu.memory_space<vmem>> -> memref<1x128xi32, #tpu.memory_space<vmem>>
        %dma_wait3A_215 = tpu.memref_squeeze %dma_wait3A_214 : memref<1x128xi32, #tpu.memory_space<vmem>> -> memref<128xi32, #tpu.memory_space<vmem>>
        %dma_wait3A_216 = arith.constant 0 : i32
        %dma_wait3A_217 = arith.constant 0 : i32
        %dma_wait3A_218 = tpu.memref_slice %arg9[%dma_wait3A_216, %dma_wait3A_217] : memref<10016x128xf32, #tpu.memory_space<vmem_shared>> -> memref<10016x128xf32, #tpu.memory_space<vmem_shared>>
        tpu.wait_indirect_dma semaphore(%run_scoped3A_198 : memref<!tpu.dma_semaphore, #tpu.memory_space<semaphore_mem>>) src(%dma_wait3A_212 : memref<128x128xf32, #tpu.memory_space<vmem>>) dst(%dma_wait3A_218 : memref<10016x128xf32, #tpu.memory_space<vmem_shared>>)
        tpu.yield
      }) : () -> ()
      %add3A_190 = arith.constant 2 : i32
      %add3A_191 = arith.addi %add3A_173, %add3A_190 : i32
      %lt3A_192 = arith.constant 40 : i32
      %lt3A_193 = arith.cmpi slt, %add3A_191, %lt3A_192 : i32
      %convert_element_type3A_194 = arith.extui %lt3A_193 : i1 to i32
      %cond3A_195 = arith.constant 0 : i32
      %cond3A_196 = arith.cmpi ne, %convert_element_type3A_194, %cond3A_195 : i32
      scf.if %cond3A_196 {
        %add3A_198 = arith.constant 2 : i32
        %add3A_199 = arith.addi %add3A_173, %add3A_198 : i32
        %dma_start3A_200 = arith.constant 1 : i32
        %dma_start3A_201 = arith.constant 1 : i32
        %dma_start3A_202 = arith.constant 0 : i32
        %dma_start3A_203 = arith.constant 0 : i32
        %dma_start3A_204 = tpu.memref_slice %arg8[%dma_start3A_200, %dma_start3A_202, %dma_start3A_203] : memref<2x128x128xf32, #tpu.memory_space<vmem>> -> memref<1x128x128xf32, #tpu.memory_space<vmem>>
        %dma_start3A_205 = tpu.memref_squeeze %dma_start3A_204 : memref<1x128x128xf32, #tpu.memory_space<vmem>> -> memref<128x128xf32, #tpu.memory_space<vmem>>
        %dma_start3A_206 = arith.constant 0 : i32
        %dma_start3A_207 = tpu.memref_slice %arg6[%add3A_199, %dma_start3A_206] : memref<40x128xi32, #tpu.memory_space<vmem>> -> memref<1x128xi32, #tpu.memory_space<vmem>>
        %dma_start3A_208 = tpu.memref_squeeze %dma_start3A_207 : memref<1x128xi32, #tpu.memory_space<vmem>> -> memref<128xi32, #tpu.memory_space<vmem>>
        %dma_start3A_209 = arith.constant 0 : i32
        %dma_start3A_210 = arith.constant 0 : i32
        %dma_start3A_211 = tpu.memref_slice %arg2[%dma_start3A_209, %dma_start3A_210] : memref<10000x128xf32, #tpu.memory_space<hbm>> -> memref<10000x128xf32, #tpu.memory_space<hbm>>
        %dma_start3A_212 = tpu.memref_slice %arg10[%dma_start3A_201] : memref<2x!tpu.dma_semaphore, #tpu.memory_space<semaphore_mem>> -> memref<1x!tpu.dma_semaphore, #tpu.memory_space<semaphore_mem>>
        %dma_start3A_213 = tpu.memref_squeeze %dma_start3A_212 : memref<1x!tpu.dma_semaphore, #tpu.memory_space<semaphore_mem>> -> memref<!tpu.dma_semaphore, #tpu.memory_space<semaphore_mem>>
        tpu.enqueue_indirect_dma source(%dma_start3A_211 : memref<10000x128xf32, #tpu.memory_space<hbm>>) target(%dma_start3A_205 : memref<128x128xf32, #tpu.memory_space<vmem>>) offsets(%dma_start3A_208 : memref<128xi32, #tpu.memory_space<vmem>>) semaphore(%dma_start3A_213 : memref<!tpu.dma_semaphore, #tpu.memory_space<semaphore_mem>>)
      } else {
      }
      %scan3A_197 = arith.constant 0 : i32
      scf.yield %scan3A_197 : i32
    }
    %scan3A_134 = arith.constant 20 : i32
    %barrier3A_135 = arith.constant 0 : index
    tpu.barrier barrier_id(%barrier3A_135)
    %mul3A_136 = arith.constant 624 : i32
    %mul3A_137 = arith.muli %arg1, %mul3A_136 : i32
    %mul3A_138 = arith.constant 624 : i32
    %mul3A_139 = arith.muli %arg1, %mul3A_138 : i32
    "tpu.region"() ({
      %run_scoped3A_142 = tpu.sem_alloc : memref<!tpu.dma_semaphore, #tpu.memory_space<semaphore_mem>>
      %dma_start3A_143 = arith.constant 0 : i32
      %dma_start3A_144 = tpu.memref_slice %arg5[%arg0, %mul3A_139, %dma_start3A_143] : memref<2x10000x128xf32, #tpu.memory_space<hbm>> -> memref<1x624x128xf32, #tpu.memory_space<hbm>>
      %dma_start3A_145 = tpu.memref_squeeze %dma_start3A_144 : memref<1x624x128xf32, #tpu.memory_space<hbm>> -> memref<624x128xf32, #tpu.memory_space<hbm>>
      %dma_start3A_146 = arith.constant 0 : i32
      %dma_start3A_147 = tpu.memref_slice %arg9[%mul3A_137, %dma_start3A_146] : memref<10016x128xf32, #tpu.memory_space<vmem_shared>> -> memref<624x128xf32, #tpu.memory_space<vmem_shared>>
      tpu.enqueue_dma source(%dma_start3A_147 : memref<624x128xf32, #tpu.memory_space<vmem_shared>>) target(%dma_start3A_145 : memref<624x128xf32, #tpu.memory_space<hbm>>) target_semaphore(%run_scoped3A_142 : memref<!tpu.dma_semaphore, #tpu.memory_space<semaphore_mem>>)
      %dma_wait3A_148 = arith.constant 0 : i32
      %dma_wait3A_149 = tpu.memref_slice %arg5[%arg0, %mul3A_139, %dma_wait3A_148] : memref<2x10000x128xf32, #tpu.memory_space<hbm>> -> memref<1x624x128xf32, #tpu.memory_space<hbm>>
      %dma_wait3A_150 = tpu.memref_squeeze %dma_wait3A_149 : memref<1x624x128xf32, #tpu.memory_space<hbm>> -> memref<624x128xf32, #tpu.memory_space<hbm>>
      %dma_wait3A_151 = arith.constant 0 : i32
      %dma_wait3A_152 = tpu.memref_slice %arg9[%mul3A_137, %dma_wait3A_151] : memref<10016x128xf32, #tpu.memory_space<vmem_shared>> -> memref<624x128xf32, #tpu.memory_space<vmem_shared>>
      tpu.wait_dma2 semaphore(%run_scoped3A_142 : memref<!tpu.dma_semaphore, #tpu.memory_space<semaphore_mem>>) src(%dma_wait3A_152 : memref<624x128xf32, #tpu.memory_space<vmem_shared>>) dst(%dma_wait3A_150 : memref<624x128xf32, #tpu.memory_space<hbm>>)
      tpu.yield
    }) : () -> ()
    %eq3A = arith.constant 15 : i32
    %eq3A_140 = arith.cmpi eq, %arg1, %eq3A : i32
    %convert_element_type3A = arith.extui %eq3A_140 : i1 to i32
    %cond3A = arith.constant 0 : i32
    %cond3A_141 = arith.cmpi ne, %convert_element_type3A, %cond3A : i32
    scf.if %cond3A_141 {
      "tpu.region"() ({
        %run_scoped3A_142 = tpu.sem_alloc : memref<!tpu.dma_semaphore, #tpu.memory_space<semaphore_mem>>
        %dma_start3A_143 = arith.constant 9984 : i32
        %dma_start3A_144 = arith.constant 0 : i32
        %dma_start3A_145 = tpu.memref_slice %arg5[%arg0, %dma_start3A_143, %dma_start3A_144] : memref<2x10000x128xf32, #tpu.memory_space<hbm>> -> memref<1x16x128xf32, #tpu.memory_space<hbm>>
        %dma_start3A_146 = tpu.memref_squeeze %dma_start3A_145 : memref<1x16x128xf32, #tpu.memory_space<hbm>> -> memref<16x128xf32, #tpu.memory_space<hbm>>
        %dma_start3A_147 = arith.constant 9984 : i32
        %dma_start3A_148 = arith.constant 0 : i32
        %dma_start3A_149 = tpu.memref_slice %arg9[%dma_start3A_147, %dma_start3A_148] : memref<10016x128xf32, #tpu.memory_space<vmem_shared>> -> memref<16x128xf32, #tpu.memory_space<vmem_shared>>
        tpu.enqueue_dma source(%dma_start3A_149 : memref<16x128xf32, #tpu.memory_space<vmem_shared>>) target(%dma_start3A_146 : memref<16x128xf32, #tpu.memory_space<hbm>>) target_semaphore(%run_scoped3A_142 : memref<!tpu.dma_semaphore, #tpu.memory_space<semaphore_mem>>)
        %dma_wait3A_150 = arith.constant 9984 : i32
        %dma_wait3A_151 = arith.constant 0 : i32
        %dma_wait3A_152 = tpu.memref_slice %arg5[%arg0, %dma_wait3A_150, %dma_wait3A_151] : memref<2x10000x128xf32, #tpu.memory_space<hbm>> -> memref<1x16x128xf32, #tpu.memory_space<hbm>>
        %dma_wait3A_153 = tpu.memref_squeeze %dma_wait3A_152 : memref<1x16x128xf32, #tpu.memory_space<hbm>> -> memref<16x128xf32, #tpu.memory_space<hbm>>
        %dma_wait3A_154 = arith.constant 9984 : i32
        %dma_wait3A_155 = arith.constant 0 : i32
        %dma_wait3A_156 = tpu.memref_slice %arg9[%dma_wait3A_154, %dma_wait3A_155] : memref<10016x128xf32, #tpu.memory_space<vmem_shared>> -> memref<16x128xf32, #tpu.memory_space<vmem_shared>>
        tpu.wait_dma2 semaphore(%run_scoped3A_142 : memref<!tpu.dma_semaphore, #tpu.memory_space<semaphore_mem>>) src(%dma_wait3A_156 : memref<16x128xf32, #tpu.memory_space<vmem_shared>>) dst(%dma_wait3A_153 : memref<16x128xf32, #tpu.memory_space<hbm>>)
        tpu.yield
      }) : () -> ()
    } else {
    }
    return
  }
}

module attributes {stable_mosaic.version = 14 : i64} {
  func.func @_combine_body(%arg0: i32, %arg1: memref<2x1000x128xf32, #tpu.memory_space<vmem>>, %arg2: memref<1000x128xf32, #tpu.memory_space<vmem>>) attributes {dimension_semantics = [#tpu.dimension_semantics<arbitrary>], iteration_bounds = array<i64: 10>, scalar_prefetch = 0 : i64, scratch_operands = 0 : i64, tpu.core_type = #tpu.core_type<tc>, window_params = [{transform_indices = @transform_0, window_bounds = array<i64: 2, 1000, 128>}, {transform_indices = @transform_1, window_bounds = array<i64: 1000, 128>}]} {
    %get3A = arith.constant 0 : index
    %get3A_0 = arith.constant 0 : index
    %get3A_1 = arith.constant 0 : index
    %get3A_2 = vector.load %arg1[%get3A, %get3A_0, %get3A_1] : memref<2x1000x128xf32, #tpu.memory_space<vmem>>, vector<1x1000x128xf32>
    %get3A_3 = vector.shape_cast %get3A_2 : vector<1x1000x128xf32> to vector<1000x128xf32>
    %get3A_4 = arith.constant 1 : index
    %get3A_5 = arith.constant 0 : index
    %get3A_6 = arith.constant 0 : index
    %get3A_7 = vector.load %arg1[%get3A_4, %get3A_5, %get3A_6] : memref<2x1000x128xf32, #tpu.memory_space<vmem>>, vector<1x1000x128xf32>
    %get3A_8 = vector.shape_cast %get3A_7 : vector<1x1000x128xf32> to vector<1000x128xf32>
    %add3A = arith.addf %get3A_3, %get3A_8 : vector<1000x128xf32>
    %max3A = arith.constant 0.000000e+00 : f32
    %max3A_9 = vector.broadcast %max3A : f32 to vector<1000x128xf32>
    %max3A_10 = arith.maximumf %add3A, %max3A_9 : vector<1000x128xf32>
    %swap3A = arith.constant 0 : index
    %swap3A_11 = arith.constant 0 : index
    %swap3A_12 = vector.load %arg2[%swap3A, %swap3A_11] : memref<1000x128xf32, #tpu.memory_space<vmem>>, vector<1000x128xf32>
    tpu.vector_store %arg2[%swap3A, %swap3A_11], %max3A_10 {strides = array<i32>} : memref<1000x128xf32, #tpu.memory_space<vmem>>, vector<1000x128xf32>,
    return
  }
  func.func @transform_0(%arg0: i32) -> (i32, i32, i32) {
    %c0_i32 = arith.constant 0 : i32
    %c0_i32_0 = arith.constant 0 : i32
    %c0_i32_1 = arith.constant 0 : i32
    return %c0_i32, %arg0, %c0_i32_0 : i32, i32, i32
  }
  func.func @transform_1(%arg0: i32) -> (i32, i32) {
    %c0_i32 = arith.constant 0 : i32
    %c0_i32_0 = arith.constant 0 : i32
    return %arg0, %c0_i32 : i32, i32
  }
}

</mosaic_0001>

<sc_bundles>
// kernel: kernel.4.cloned.1.call-start
scs
__scs_entry_jumppad:
0x0: {  	(pc) =	sbr.rel $0x88, $3  }
0x1: {  	(tag) =	ssettag $0x0;
	lr =	simm.s32 $0x1  }
0x2: {  	[smem:$0x3F9F] =	sst lr;
	_ =	strace $0xD0000000  }
0x3: {  	_ = 	snop  }
0x4: {  	_ = 	snop  }
0x5: {  	_ = 	snop  }
0x6: {  	_ = 	snop  }
0x7: {  	_ = 	snop  }
__scs_overlays_trampoline_lowered:
0x8: {  	[smem:$0x3FAE] =	sst s0  }
0x9: {  	[smem:$0x3FAF] =	sst s1  }
0xa: {  	[smem:$0x3FB0] =	sst s2  }
0xb: {  	[smem:$0x3FB1] =	sst s3  }
0xc: {  	[smem:$0x3FB2] =	sst s4  }
0xd: {  	[smem:$0x3FB3] =	sst s5  }
0xe: {  	[smem:$0x3FB4] =	sst s6  }
0xf: {  	[smem:$0x3FB5] =	sst s7  }
0x10: {  	[smem:$0x3FB6] =	sst s8  }
0x11: {  	[smem:$0x3FB7] =	sst s9;
	s0 =	simm.s32 @!p0 $0x0  }
0x12: {  	s1 =	sld [smem:$0x3F9D];
	s0 =	simm.s32 @p0 $0x1  }
0x13: {  	[smem:$0x3FB8] =	sst s0;
	s0 =	simm.s32 @!p1 $0x0  }
0x14: {  	s2 =	sld [smem:$0x3F9C];
	s0 =	simm.s32 @p1 $0x1  }
0x15: {  	[smem:$0x3FB9] =	sst s0;
	s0 =	simm.s32 @!p2 $0x0  }
0x16: {  	s3 =	sld [smem:$0x3FDB];
	s0 =	simm.s32 @p2 $0x1  }
0x17: {  	s4 =	simm.s32 $0x1BF5;
	[smem:$0x3FBB] =	sst s0  }
0x18: {  	s0 =	sld [smem:$0x3F9E];
	_ =	swait.ge [sflag:s4], $0x0  }
0x19: {  	s7 =	sld [smem:$0x3F9F]  }
0x1a: {  	s8 =	sadd.s32 $0xFFFFE003, lr  }
0x1b: {  	s9 =	sadd.s32 $0xFFFFFEF7, lr;
	s5 =	simm.s32 $0xFFFFFFFF;
	p2 =	slt.u32 s8, $0xFFFFF086  }
0x1c: {  	p1 =	slt.u32 s9, $0xF7A;
	s5 =	simm.s32 @!p2 $0x0  }
0x1d: {  	s5 =	simm.s32 @p1 $0x1;
	p0 =	seq.s32 s7, s2  }
0x1e: {  	s7 =	smul.u32 @!p0 $0xF7A, s2;
	p2 =	seq.s32 @!p0 s5, $0x0  }
0x1f: {  	s9 =	smul.u32 $0xF7A, s1;
	s8 =	simm.s32 @!p0 $0x1BF5;
	p2 =	por !p2, p0  }
0x20: {  	[sflag:s8] =	ssyncset.s32 @!p0 $0xFFFFF086;
	s6 =	sadd.s32 @!p0 s3, s7;
	s7 =	simm.s32 @!p0 $0x108  }
0x21: {  	s3 =	sadd.s32 s3, s9;
	s6 =	sadd.s32 @!p0 $0x88, s6;
	s7 =	simm.s32 @p2 $0x1082  }
0x22: {  	[simem:s7], [sflag:s8] =	dma.local @!p0 [hbm:s6], $0xF7A  }
0x23: {  	s9 =	sor.u32 $0xD0000000, s2;
	s6 =	simm.s32 $0x108;
	_ =	swait.ge @!p0 [sflag:s8], $0x0  }
0x24: {  	s3 =	sadd.s32 $0x88, s3;
	s6 =	simm.s32 @!p1 $0x1082;
	[sflag:s4] =	ssyncset.s32 $0xFFFFF086  }
0x25: {  	[simem:s6], [sflag:s4] =	dma.local [hbm:s3], $0xF7A  }
0x26: {  	[smem:$0x3F9F] =	sst s1;
	(tag) =	ssettag s2;
	_ =	strace s9  }
0x27: {  	s1 =	sld [smem:$0x3FAF]  }
0x28: {  	s2 =	sld [smem:$0x3FB0]  }
0x29: {  	s4 =	sld [smem:$0x3FB2]  }
0x2a: {  	p0 =	seq.s32 s5, $0x0;
	s5 =	sld [smem:$0x3FB3]  }
0x2b: {  	s6 =	sld [smem:$0x3FB4]  }
0x2c: {  	s7 =	sld [smem:$0x3FB5]  }
0x2d: {  	s3 =	simm.s32 $0x108;
	s8 =	sld [smem:$0x3FB6]  }
0x2e: {  	s3 =	simm.s32 @!p0 $0x1082;
	s9 =	sld [smem:$0x3FB7]  }
0x2f: {  	lr =	sadd.s32 s0, s3;
	s0 =	sld [smem:$0x3FAE]  }
0x30: {  	s3 =	sld [smem:$0x3FB1]  }
0x31: {  	[smem:$0x3FBA] =	sst s10  }
0x32: {  	s10 =	sld [smem:$0x3FB8];
	_ =	sdelay $0x3  }
0x33: {  	p0 =	seq.s32 s10, $0x1;
	s10 =	sld [smem:$0x3FBA];
	_ =	sdelay $0x3  }
0x34: {  	[smem:$0x3FBA] =	sst s10  }
0x35: {  	s10 =	sld [smem:$0x3FB9];
	_ =	sdelay $0x3  }
0x36: {  	p1 =	seq.s32 s10, $0x1;
	s10 =	sld [smem:$0x3FBA];
	_ =	sdelay $0x3  }
0x37: {  	[smem:$0x3FBA] =	sst s10  }
0x38: {  	s10 =	sld [smem:$0x3FBB]  }
0x39: {  	_ = 	snop;
	(pc) =	sbr.ind lr, $3  }
0x3a: {  	_ = 	snop  }
0x3b: {  	_ = 	snop  }
0x3c: {  	p2 =	seq.s32 s10, $0x1;
	s10 =	sld [smem:$0x3FBA]  }
0x3d: {  	_ =	shalt  }
0x3e: {  	_ =	shalt  }
0x3f: {  	_ =	shalt  }
0x40: {  	_ =	shalt  }
0x41: {  	_ =	shalt  }
0x42: {  	_ =	shalt  }
0x43: {  	_ =	shalt  }
0x44: {  	_ =	shalt  }
0x45: {  	_ =	shalt  }
0x46: {  	_ =	shalt  }
0x47: {  	_ =	shalt  }
0x48: {  	_ =	shalt  }
0x49: {  	_ =	shalt  }
0x4a: {  	_ =	shalt  }
0x4b: {  	_ =	shalt  }
0x4c: {  	_ =	shalt  }
0x4d: {  	_ =	shalt  }
0x4e: {  	_ =	shalt  }
0x4f: {  	_ =	shalt  }
0x50: {  	_ =	shalt  }
0x51: {  	_ =	shalt  }
0x52: {  	_ =	shalt  }
0x53: {  	_ =	shalt  }
0x54: {  	_ =	shalt  }
0x55: {  	_ =	shalt  }
0x56: {  	_ =	shalt  }
0x57: {  	_ =	shalt  }
0x58: {  	_ =	shalt  }
0x59: {  	_ =	shalt  }
0x5a: {  	_ =	shalt  }
0x5b: {  	_ =	shalt  }
0x5c: {  	_ =	shalt  }
0x5d: {  	_ =	shalt  }
0x5e: {  	_ =	shalt  }
0x5f: {  	_ =	shalt  }
0x60: {  	_ =	shalt  }
0x61: {  	_ =	shalt  }
0x62: {  	_ =	shalt  }
0x63: {  	_ =	shalt  }
0x64: {  	_ =	shalt  }
0x65: {  	_ =	shalt  }
0x66: {  	_ =	shalt  }
0x67: {  	_ =	shalt  }
0x68: {  	_ =	shalt  }
0x69: {  	_ =	shalt  }
0x6a: {  	_ =	shalt  }
0x6b: {  	_ =	shalt  }
0x6c: {  	_ =	shalt  }
0x6d: {  	_ =	shalt  }
0x6e: {  	_ =	shalt  }
0x6f: {  	_ =	shalt  }
0x70: {  	_ =	shalt  }
0x71: {  	_ =	shalt  }
0x72: {  	_ =	shalt  }
0x73: {  	_ =	shalt  }
0x74: {  	_ =	shalt  }
0x75: {  	_ =	shalt  }
0x76: {  	_ =	shalt  }
0x77: {  	_ =	shalt  }
0x78: {  	_ =	shalt  }
0x79: {  	_ =	shalt  }
0x7a: {  	_ =	shalt  }
0x7b: {  	_ =	shalt  }
0x7c: {  	_ =	shalt  }
0x7d: {  	_ =	shalt  }
0x7e: {  	_ =	shalt  }
0x7f: {  	_ =	shalt  }
0x80: {  	_ =	shalt  }
0x81: {  	_ =	shalt  }
0x82: {  	_ =	shalt  }
0x83: {  	_ =	shalt  }
0x84: {  	_ =	shalt  }
0x85: {  	_ =	shalt  }
0x86: {  	_ =	shalt  }
0x87: {  	_ =	shalt  }
.Lfunc_end0:
.L_simem_size_0:
called_computation_lowered:
.L_overlay_start_0:
0x88: {  	s2 =	sld [smem:$0x3FD9]  }
0x89: {  	s3 =	sld [smem:$0x3FFE];
	_ =	sdelay $0x1  }
0x8a: {  	s1 =	srdreg.scid  }
0x8b: {  	s0 =	sand.u32 $0x1, s1  }
0x8c: {  	s17 =	sshll.u32 s0, $0xA;
	s2 =	sadd.s32 s3, s2  }
0x8d: {  	s2 =	sadd.s32 s2, s17  }
0x8e: {  	[smem:$0x3FC6] =	sst s2  }
0x8f: {  	_ = 	snop  }
0x90: {  	s2 =	sld [smem:$0x3FC9]  }
0x91: {  	s18 =	sld [smem:$0x3FD0];
	(tm) =	ssettm $0x1  }
0x92: {  	s4 =	sld [smem:$0x3FFB];
	_ =	sdelay $0x3  }
0x93: {  	_ =	strace s4  }
0x94: {  	s4 =	sld [smem:$0x3FFC];
	_ =	sdelay $0x3  }
0x95: {  	_ =	strace s4  }
0x96: {  	s4 =	sld [smem:$0x3FFD];
	_ =	sdelay $0x3  }
0x97: {  	_ =	strace s4  }
0x98: {  	_ =	strace $0x8FFFFFFF  }
0x99: {  	s19 =	sld [smem:$0x3FDB];
	_ =	sdelay $0x1  }
0x9a: {  	s5 =	simm.s32 $_scs_section_size  }
0x9b: {  	s6 =	simm.s32 $_size__tile_overlayer_lowered;
	s7 =	simm.s32 $_tile_overlayer_lowered  }
0x9c: {  	s22 =	simm.s32 $0x1BFF;
	s21 =	sshll.u32 s7, $0x1;
	s4 =	sadd.s32 s5, s19  }
0x9d: {  	s8 =	simm.s32 $0x0;
	s20 =	sshll.u32 s6, $0x1;
	s6 =	sadd.s32 s21, s4  }
0x9e: {  	[timem:s8], [sflag:s22] =	dma.local [hbm:s6], s20  }
0x9f: {  	_ =	swait.ge [sflag:s22], s20  }
0xa0: {  	s5 =	ssub.s32 $0x0, s20;
	[sflag:s22] =	ssyncset.done $0x0  }
0xa1: {  	[sflag:s22] =	ssyncadd.s32 s5;
	_ =	sdelay $0x1  }
0xa2: {  	s23 =	simm.s32 $0x1B8B  }
0xa3: {  	_ =	swait.ge [sflag:s23], $0x1  }
0xa4: {  	[sflag:s23] =	ssyncset.done $0x0  }
0xa5: {  	s25 =	simm.s32 $0x1B8E;
	s24 =	sld [smem:$0x3FFE];
	[sflag:s23] =	ssyncadd.s32 $0xFFFFFFFF  }
0xa6: {  	s26 =	simm.s32 $execute0_lowered;
	[smem:$0x3FD2] =	sst s25  }
0xa7: {  	s6 =	sshll.u32 s26, $0x1;
	_ =	strace $0x80000046;
	[dreg:$0x1] =	wrdreg $0xFFFFFFFF  }
0xa8: {  	s28 =	simm.s32 $_size_execute0_lowered;
	s4 =	sadd.s32 s4, s6;
	[dreg:$0x0] =	wrdreg $0x0  }
0xa9: {  	s6 =	sshll.u32 s28, $0x1;
	[dreg:$0x2] =	wrdreg s4  }
0xaa: {  	[dreg:$0x3] =	wrdreg s6  }
0xab: {  	[dreg:$0x4] =	wrdreg $0xC0  }
0xac: {  	_ =	task [dreg:s8], $0x5FFFF  }
0xad: {  	[dreg:$0x1] =	wrdreg $0xFFFFFFFF  }
0xae: {  	[dreg:$0x0] =	wrdreg $0x60  }
0xaf: {  	[dreg:$0x2] =	wrdreg s2  }
0xb0: {  	[dreg:$0x3] =	wrdreg s18  }
0xb1: {  	[dreg:$0x4] =	wrdreg s24  }
0xb2: {  	[dreg:$0x5] =	wrdreg $0xA8000  }
0xb3: {  	[dreg:$0x6] =	wrdreg $0x9  }
0xb4: {  	_ =	task.clear_ibuf [dreg:s8], $0x7FFFF;
	_ =	strace $0x90000046  }
0xb5: {  	s29 =	simm.s32 $0x9;
	_ =	strace $0x80000048  }
0xb6: {  	_ =	swait.ge [sflag:s29], $0x1  }
0xb7: {  	[sflag:s29] =	ssyncadd.s32 $0xFFFFFFFF  }
0xb8: {  	_ =	strace $0x90000048  }
0xb9: {  	_ =	sfence  }
0xba: {  	s30 =	sld [smem:$0x0];
	_ =	sdelay $0x2  }
0xbb: {  	s31 =	sshll.u32 s1, $0xD;
	s1 =	sshrl.u32 s1, $0x2  }
0xbc: {  	s3 =	sand.u32 $0x4000, s31;
	s1 =	sadd.s32 s1, s30  }
0xbd: {  	s0 =	sor.u32 s3, s0;
	s1 =	sshll.u32 s1, $0x11  }
0xbe: {  	s0 =	sor.u32 s1, s0  }
0xbf: {  	s0 =	sadd.s32 $0x8F2B, s0  }
0xc0: {  	[sflag:s0] =	ssyncadd.remote.s32 $0x1  }
0xc1: {  	_ =	sfence.sel $0xFFFF  }
0xc2: {  	[dreg:$0x0] =	wrdreg $0xFFFFFFFF;
	(pc) =	sbr.abs _section_cstart, $3  }
0xc3: {  	[dreg:$0x1] =	wrdreg $0xFFFFFFFF  }
0xc4: {  	_ =	task.clear_ibuf [dreg:s8], $0x2FFFF;
	_ =	strace $0x9FFFFFFF  }
0xc5: {  	(tm) =	ssettm $0x7FFFFFFF  }
tec
execute0_lowered:
.L_overlay_start_1:
0x0: {  	(tag) =	ssettag $0x1  }
0x1: {  	s0 =	rddreg [dreg:$0x0]  }
0x2: {  	s1 =	rddreg [dreg:$0x1]  }
0x3: {  	s2 =	srdreg.scid;
	s10 =	rddreg [dreg:$0x2]  }
0x4: {  	s3 =	rddreg [dreg:$0x3];
	s4 =	stileid.u32;
	s6 =	simm.s32 $0x0  }
0x5: {  	s17 =	simm.s32 $0x1400;
	s18 =	simm.s32 $0x2800;
	s19 =	simm.s32 $0x5  }
0x6: {  	s20 =	simm.s32 $0x3;
	s21 =	simm.s32 $0x4;
	s28 =	simm.s32 $0x2  }
0x7: {  	s29 =	simm.s32 $0x2700;
	s30 =	simm.s32 $0x2780;
	s8 =	smul.u32 $0x4E400, s4  }
0x8: {  	s31 =	simm.s32 $0x0;
	s2 =	sand.u32 $0x1, s2;
	s11 =	smul.u32 $0x13800, s4  }
0x9: {  	[smem:$0x7FF] =	sst s6;
	s12 =	sadd.s32 $0xA000, s10;
	s15 =	smul.u32 $0x4E000, s4  }
0xa: {  	p0 =	sne.s32 s4, $0xF;
	s5 =	sshll.u32 s2, $0x4;
	s22 =	ssub.s32 $0x2, s2  }
0xb: {  	_ =	strace $0x80000047;
	s2 =	smul.u32 $0x138800, s2;
	s5 =	sor.u32 s4, s5  }
0xc: {  	s7 =	sshrl.u32 s22, $0x1;
	s23 =	sshrl.u32 s8, $0x2;
	s25 =	sshrl.u32 s15, $0x2  }
0xd: {  	s5 =	smul.u32 $0x2800, s5;
	s13 =	ssub.s32 s22, s7;
	s7 =	sadd.s32 s23, s3  }
0xe: {  	s24 =	sadd.s32 s11, s2;
	s2 =	sshrl.u32 s2, $0x3;
	s26 =	sadd.s32 s25, s3  }
0xf: {  	s22 =	simm.s32 $0x80;
	s23 =	simm.s32 $0x6800;
	s8 =	sadd.s32 $0x10000, s7  }
0x10: {  	s2 =	sadd.s32 s12, s2;
	s13 =	smax.u32 s13, $0x1;
	s9 =	sshrl.u32 s5, $0x3  }
0x11: {  	s15 =	sadd.s32 $0x8000, s7;
	s16 =	sadd.s32 $0xC000, s7;
	s14 =	sadd.s32 $0x280, s9  }
0x12: {  	s5 =	sadd.s32 s1, s9;
	s6 =	sadd.s32 s10, s9;
	s9 =	sadd.s32 s1, s14  }
0x13: {  	s10 =	sadd.s32 s10, s14;
	s1 =	sshrl.u32 s24, $0x3;
	s14 =	sadd.s32 $0x4000, s7  }
0x14: {  	s11 =	sadd.s32 s12, s1;
	s12 =	sadd.s32 $0x27000, s2;
	s2 =	sadd.s32 $0x138000, s3  }
0x15: {  	v0 =	vimm.f32 $0.0e+00;
	s24 =	sshrl.u32 s26, $0x3;
	s26 =	simm.s32 $0x1;
	s25 =	sshrl.u32 @!p0 s2, $0x3  }
.LBB2_1:
0x16: {  	s1 =	simm.s32 $0x0  }
0x17: {  	[tilespmem:s1], [sflag:$0x3] =	stream.linear.gather [hbm4b:s5+s1], $0x1400, $0x38;
	[tilespmem:$0x1E100] =	vst v63  }
0x18: {  	_ = 	snop  }
0x19: {  	[tilespmem:s17], [sflag:$0x4] =	stream.linear.gather [hbm4b:s6+s1], $0x1400, $0x38;
	[tilespmem:$0x1E100] =	vst v63  }
0x1a: {  	s2 =	simm.s32 $0x200;
	s1 =	simm.s32 $0x0  }
.LBB2_2:
0x1b: {  	p1 =	sne.s32 s2, $0xFE00;
	[tilespmem:s1+$0x2870] =	vst v0  }
0x1c: {  	[tilespmem:s1+$0x2800] =	vst v0  }
0x1d: {  	[tilespmem:s1+$0x2810] =	vst v0  }
.Ltmp0:
0x1e: {  	[tilespmem:s1+$0x2820] =	vst v0;
	(pc) =	sbr.rel @p1 .LBB2_2-.Ltmp0, $4  }
0x1f: {  	[tilespmem:s1+$0x2830] =	vst v0  }
0x20: {  	[tilespmem:s1+$0x2840] =	vst v0  }
0x21: {  	[tilespmem:s1+$0x2850] =	vst v0  }
0x22: {  	[tilespmem:s1+$0x2860] =	vst v0;
	s1 =	sshra.s32 s2, $0x2;
	s2 =	sadd.s32 $0x200, s2  }
0x23: {  	[tilespmem:s1+$0x2870] =	vst v0  }
0x24: {  	[tilespmem:s1+$0x2800] =	vst v0  }
0x25: {  	[tilespmem:s1+$0x2810] =	vst v0  }
0x26: {  	[tilespmem:s1+$0x2820] =	vst v0  }
0x27: {  	[tilespmem:s1+$0x2830] =	vst v0  }
0x28: {  	[tilespmem:s1+$0x2840] =	vst v0  }
0x29: {  	[tilespmem:s1+$0x2850] =	vst v0  }
0x2a: {  	[tilespmem:s1+$0x2860] =	vst v0  }
0x2b: {  	[spmem:s7] =	stream.linear.scatter [tilespmem:s18], [sflag:$0x5], $0x4000, $0x38;
	[tilespmem:$0x1E100] =	vst v63  }
0x2c: {  	_ =	swait.ge [sflag:s19], $0x4000  }
0x2d: {  	[sflag:s19] =	ssyncset.done $0x0  }
0x2e: {  	[sflag:s19] =	ssyncadd.s32 $0xFFFFC000  }
0x2f: {  	[spmem:s14] =	stream.linear.scatter [tilespmem:s18], [sflag:$0x5], $0x4000, $0x38;
	[tilespmem:$0x1E100] =	vst v63  }
0x30: {  	_ =	swait.ge [sflag:s19], $0x4000  }
0x31: {  	[sflag:s19] =	ssyncset.done $0x0  }
0x32: {  	[sflag:s19] =	ssyncadd.s32 $0xFFFFC000  }
0x33: {  	[spmem:s15] =	stream.linear.scatter [tilespmem:s18], [sflag:$0x5], $0x4000, $0x38;
	[tilespmem:$0x1E100] =	vst v63  }
0x34: {  	_ =	swait.ge [sflag:s19], $0x4000  }
0x35: {  	[sflag:s19] =	ssyncset.done $0x0  }
0x36: {  	[sflag:s19] =	ssyncadd.s32 $0xFFFFC000  }
0x37: {  	[spmem:s16] =	stream.linear.scatter [tilespmem:s18], [sflag:$0x5], $0x4000, $0x38;
	[tilespmem:$0x1E100] =	vst v63  }
0x38: {  	_ =	swait.ge [sflag:s19], $0x4000  }
0x39: {  	[sflag:s19] =	ssyncset.done $0x0  }
0x3a: {  	[sflag:s19] =	ssyncadd.s32 $0xFFFFC000  }
0x3b: {  	[spmem:s8] =	stream.linear.scatter [tilespmem:s18], [sflag:$0x5], $0x3900, $0x38;
	[tilespmem:$0x1E100] =	vst v63  }
0x3c: {  	_ =	swait.ge [sflag:s19], $0x3900  }
0x3d: {  	[sflag:s19] =	ssyncset.done $0x0  }
0x3e: {  	[sflag:s19] =	ssyncadd.s32 $0xFFFFC700  }
0x3f: {  	_ =	swait.ge [sflag:s20], $0x1400  }
0x40: {  	[sflag:s20] =	ssyncset.done $0x0  }
0x41: {  	[sflag:s20] =	ssyncadd.s32 $0xFFFFEC00  }
0x42: {  	_ =	swait.ge [sflag:s21], $0x1400  }
0x43: {  	[sflag:s21] =	ssyncset.done $0x0  }
0x44: {  	s2 =	simm.s32 $0x0;
	[sflag:s21] =	ssyncadd.s32 $0xFFFFEC00  }
0x45: {  	[tilespmem:s18], [sflag:$0x1] =	stream.indirect.gather [hbm4b:s0+s22], $0x80, s2, s22, $0xb8;
	[tilespmem:$0x1E100] =	vst v63  }
0x46: {  	_ = 	snop  }
0x47: {  	[tilespmem:s23], [sflag:$0x2] =	stream.indirect.gather [hbm4b:s0+s22], $0x80, s22, s22, $0xb8;
	[tilespmem:$0x1E100] =	vst v63  }
0x48: {  	[bflag:$0x0] =	sbarrier.arrive $0xFFFF  }
0x49: {  	_ =	swait.ge [sflag:s26], $0x4000  }
0x4a: {  	[sflag:s26] =	ssyncset.done $0x0  }
0x4b: {  	s4 =	simm.s32 $0x1400;
	[sflag:s26] =	ssyncadd.s32 $0xFFFFC000  }
0x4c: {  	[spmem:s3] =	stream.indirect.scatter.add.f32 [tilespmem:s18], [sflag:$0x5], $0x80, s4, s22, $0xb8;
	[tilespmem:$0x1E100] =	vst v63  }
0x4d: {  	_ =	swait.ge [sflag:s19], $0x4000  }
0x4e: {  	[sflag:s19] =	ssyncset.done $0x0  }
0x4f: {  	s2 =	simm.s32 $0x100;
	[sflag:s19] =	ssyncadd.s32 $0xFFFFC000  }
0x50: {  	[tilespmem:s18], [sflag:$0x1] =	stream.indirect.gather [hbm4b:s0+s22], $0x80, s2, s22, $0xb8;
	[tilespmem:$0x1E100] =	vst v63  }
0x51: {  	_ =	swait.ge [sflag:s28], $0x4000  }
0x52: {  	[sflag:s28] =	ssyncset.done $0x0  }
0x53: {  	s4 =	simm.s32 $0x1480;
	[sflag:s28] =	ssyncadd.s32 $0xFFFFC000  }
0x54: {  	[spmem:s3] =	stream.indirect.scatter.add.f32 [tilespmem:s23], [sflag:$0x5], $0x80, s4, s22, $0xb8;
	[tilespmem:$0x1E100] =	vst v63  }
0x55: {  	_ =	swait.ge [sflag:s19], $0x4000  }
0x56: {  	[sflag:s19] =	ssyncset.done $0x0  }
0x57: {  	s1 =	simm.s32 $0x400;
	s2 =	simm.s32 $0x180;
	[sflag:s19] =	ssyncadd.s32 $0xFFFFC000  }
.LBB2_4:
0x58: {  	[tilespmem:s23], [sflag:$0x2] =	stream.indirect.gather [hbm4b:s0+s22], $0x80, s2, s22, $0xb8;
	[tilespmem:$0x1E100] =	vst v63  }
0x59: {  	s2 =	smov.u32 s1  }
0x5a: {  	p1 =	sne.s32 s1, $0x4800;
	s1 =	sadd.s32 $0x400, s1;
	_ =	swait.ge [sflag:s26], $0x4000  }
0x5b: {  	s2 =	sshra.s32 s2, $0x2;
	[sflag:s26] =	ssyncset.done $0x0  }
0x5c: {  	s4 =	sadd.s32 $0x1400, s2;
	[sflag:s26] =	ssyncadd.s32 $0xFFFFC000  }
0x5d: {  	[spmem:s3] =	stream.indirect.scatter.add.f32 [tilespmem:s18], [sflag:$0x5], $0x80, s4, s22, $0xb8;
	[tilespmem:$0x1E100] =	vst v63  }
0x5e: {  	_ =	swait.ge [sflag:s19], $0x4000  }
0x5f: {  	[sflag:s19] =	ssyncset.done $0x0  }
0x60: {  	s4 =	sadd.s32 $0x100, s2;
	[sflag:s19] =	ssyncadd.s32 $0xFFFFC000  }
0x61: {  	[tilespmem:s18], [sflag:$0x1] =	stream.indirect.gather [hbm4b:s0+s22], $0x80, s4, s22, $0xb8;
	[tilespmem:$0x1E100] =	vst v63  }
0x62: {  	_ =	swait.ge [sflag:s28], $0x4000  }
0x63: {  	[sflag:s28] =	ssyncset.done $0x0  }
.Ltmp1:
0x64: {  	s4 =	sadd.s32 $0x1480, s2;
	[sflag:s28] =	ssyncadd.s32 $0xFFFFC000;
	(pc) =	sbr.rel @p1 .LBB2_4-.Ltmp1, $4  }
0x65: {  	[spmem:s3] =	stream.indirect.scatter.add.f32 [tilespmem:s23], [sflag:$0x5], $0x80, s4, s22, $0xb8;
	[tilespmem:$0x1E100] =	vst v63  }
0x66: {  	_ =	swait.ge [sflag:s19], $0x4000  }
0x67: {  	[sflag:s19] =	ssyncset.done $0x0  }
0x68: {  	s2 =	sadd.s32 $0x180, s2;
	[sflag:s19] =	ssyncadd.s32 $0xFFFFC000  }
0x69: {  	[tilespmem:s23], [sflag:$0x2] =	stream.indirect.gather [hbm4b:s0+s22], $0x80, s2, s22, $0xb8;
	[tilespmem:$0x1E100] =	vst v63  }
0x6a: {  	_ =	swait.ge [sflag:s26], $0x4000  }
0x6b: {  	[sflag:s26] =	ssyncset.done $0x0  }
0x6c: {  	[sflag:s26] =	ssyncadd.s32 $0xFFFFC000  }
0x6d: {  	[spmem:s3] =	stream.indirect.scatter.add.f32 [tilespmem:s18], [sflag:$0x5], $0x80, s29, s22, $0xb8;
	[tilespmem:$0x1E100] =	vst v63  }
0x6e: {  	_ =	swait.ge [sflag:s19], $0x4000  }
0x6f: {  	[sflag:s19] =	ssyncset.done $0x0  }
0x70: {  	[sflag:s19] =	ssyncadd.s32 $0xFFFFC000  }
0x71: {  	_ =	swait.ge [sflag:s28], $0x4000  }
0x72: {  	[sflag:s28] =	ssyncset.done $0x0  }
0x73: {  	[sflag:s28] =	ssyncadd.s32 $0xFFFFC000  }
0x74: {  	[spmem:s3] =	stream.indirect.scatter.add.f32 [tilespmem:s23], [sflag:$0x5], $0x80, s30, s22, $0xb8;
	[tilespmem:$0x1E100] =	vst v63  }
0x75: {  	_ =	swait.ge [sflag:s19], $0x4000  }
0x76: {  	[sflag:s19] =	ssyncset.done $0x0  }
0x77: {  	s1 =	simm.s32 $0x0;
	[sflag:s19] =	ssyncadd.s32 $0xFFFFC000  }
0x78: {  	[tilespmem:s1], [sflag:$0x5] =	stream.linear.gather [hbm4b:s9+s1], $0x1400, $0x38;
	[tilespmem:$0x1E100] =	vst v63  }
0x79: {  	_ =	swait.ge [sflag:s19], $0x1400  }
0x7a: {  	[sflag:s19] =	ssyncset.done $0x0  }
0x7b: {  	[sflag:s19] =	ssyncadd.s32 $0xFFFFEC00  }
0x7c: {  	[tilespmem:s17], [sflag:$0x5] =	stream.linear.gather [hbm4b:s10+s1], $0x1400, $0x38;
	[tilespmem:$0x1E100] =	vst v63  }
0x7d: {  	_ =	swait.ge [sflag:s19], $0x1400  }
0x7e: {  	[sflag:s19] =	ssyncset.done $0x0  }
0x7f: {  	[sflag:s19] =	ssyncadd.s32 $0xFFFFEC00  }
0x80: {  	[tilespmem:s18], [sflag:$0x1] =	stream.indirect.gather [hbm4b:s0+s22], $0x80, s1, s22, $0xb8;
	[tilespmem:$0x1E100] =	vst v63  }
0x81: {  	_ = 	snop  }
0x82: {  	[tilespmem:s23], [sflag:$0x2] =	stream.indirect.gather [hbm4b:s0+s22], $0x80, s22, s22, $0xb8;
	[tilespmem:$0x1E100] =	vst v63  }
0x83: {  	_ =	swait.ge [sflag:s26], $0x4000  }
0x84: {  	[sflag:s26] =	ssyncset.done $0x0  }
0x85: {  	s4 =	simm.s32 $0x1400;
	[sflag:s26] =	ssyncadd.s32 $0xFFFFC000  }
0x86: {  	[spmem:s3] =	stream.indirect.scatter.add.f32 [tilespmem:s18], [sflag:$0x5], $0x80, s4, s22, $0xb8;
	[tilespmem:$0x1E100] =	vst v63  }
0x87: {  	_ =	swait.ge [sflag:s19], $0x4000  }
0x88: {  	[sflag:s19] =	ssyncset.done $0x0  }
0x89: {  	s2 =	simm.s32 $0x100;
	[sflag:s19] =	ssyncadd.s32 $0xFFFFC000  }
0x8a: {  	[tilespmem:s18], [sflag:$0x1] =	stream.indirect.gather [hbm4b:s0+s22], $0x80, s2, s22, $0xb8;
	[tilespmem:$0x1E100] =	vst v63  }
0x8b: {  	_ =	swait.ge [sflag:s28], $0x4000  }
0x8c: {  	[sflag:s28] =	ssyncset.done $0x0  }
0x8d: {  	s4 =	simm.s32 $0x1480;
	[sflag:s28] =	ssyncadd.s32 $0xFFFFC000  }
0x8e: {  	[spmem:s3] =	stream.indirect.scatter.add.f32 [tilespmem:s23], [sflag:$0x5], $0x80, s4, s22, $0xb8;
	[tilespmem:$0x1E100] =	vst v63  }
0x8f: {  	_ =	swait.ge [sflag:s19], $0x4000  }
0x90: {  	[sflag:s19] =	ssyncset.done $0x0  }
0x91: {  	s1 =	simm.s32 $0x400;
	s2 =	simm.s32 $0x180;
	[sflag:s19] =	ssyncadd.s32 $0xFFFFC000  }
.LBB2_6:
0x92: {  	[tilespmem:s23], [sflag:$0x2] =	stream.indirect.gather [hbm4b:s0+s22], $0x80, s2, s22, $0xb8;
	[tilespmem:$0x1E100] =	vst v63  }
0x93: {  	s2 =	smov.u32 s1  }
0x94: {  	p1 =	sne.s32 s1, $0x4800;
	s1 =	sadd.s32 $0x400, s1;
	_ =	swait.ge [sflag:s26], $0x4000  }
0x95: {  	s2 =	sshra.s32 s2, $0x2;
	[sflag:s26] =	ssyncset.done $0x0  }
0x96: {  	s4 =	sadd.s32 $0x1400, s2;
	[sflag:s26] =	ssyncadd.s32 $0xFFFFC000  }
0x97: {  	[spmem:s3] =	stream.indirect.scatter.add.f32 [tilespmem:s18], [sflag:$0x5], $0x80, s4, s22, $0xb8;
	[tilespmem:$0x1E100] =	vst v63  }
0x98: {  	_ =	swait.ge [sflag:s19], $0x4000  }
0x99: {  	[sflag:s19] =	ssyncset.done $0x0  }
0x9a: {  	s4 =	sadd.s32 $0x100, s2;
	[sflag:s19] =	ssyncadd.s32 $0xFFFFC000  }
0x9b: {  	[tilespmem:s18], [sflag:$0x1] =	stream.indirect.gather [hbm4b:s0+s22], $0x80, s4, s22, $0xb8;
	[tilespmem:$0x1E100] =	vst v63  }
0x9c: {  	_ =	swait.ge [sflag:s28], $0x4000  }
0x9d: {  	[sflag:s28] =	ssyncset.done $0x0  }
.Ltmp2:
0x9e: {  	s4 =	sadd.s32 $0x1480, s2;
	[sflag:s28] =	ssyncadd.s32 $0xFFFFC000;
	(pc) =	sbr.rel @p1 .LBB2_6-.Ltmp2, $4  }
0x9f: {  	[spmem:s3] =	stream.indirect.scatter.add.f32 [tilespmem:s23], [sflag:$0x5], $0x80, s4, s22, $0xb8;
	[tilespmem:$0x1E100] =	vst v63  }
0xa0: {  	_ =	swait.ge [sflag:s19], $0x4000  }
0xa1: {  	[sflag:s19] =	ssyncset.done $0x0  }
0xa2: {  	s2 =	sadd.s32 $0x180, s2;
	[sflag:s19] =	ssyncadd.s32 $0xFFFFC000  }
0xa3: {  	[tilespmem:s23], [sflag:$0x2] =	stream.indirect.gather [hbm4b:s0+s22], $0x80, s2, s22, $0xb8;
	[tilespmem:$0x1E100] =	vst v63  }
0xa4: {  	_ =	swait.ge [sflag:s26], $0x4000  }
0xa5: {  	[sflag:s26] =	ssyncset.done $0x0  }
0xa6: {  	[sflag:s26] =	ssyncadd.s32 $0xFFFFC000  }
0xa7: {  	[spmem:s3] =	stream.indirect.scatter.add.f32 [tilespmem:s18], [sflag:$0x5], $0x80, s29, s22, $0xb8;
	[tilespmem:$0x1E100] =	vst v63  }
0xa8: {  	_ =	swait.ge [sflag:s19], $0x4000  }
0xa9: {  	[sflag:s19] =	ssyncset.done $0x0  }
0xaa: {  	[sflag:s19] =	ssyncadd.s32 $0xFFFFC000  }
0xab: {  	_ =	swait.ge [sflag:s28], $0x4000  }
0xac: {  	[sflag:s28] =	ssyncset.done $0x0  }
0xad: {  	[sflag:s28] =	ssyncadd.s32 $0xFFFFC000  }
0xae: {  	[spmem:s3] =	stream.indirect.scatter.add.f32 [tilespmem:s23], [sflag:$0x5], $0x80, s30, s22, $0xb8;
	[tilespmem:$0x1E100] =	vst v63  }
0xaf: {  	_ =	swait.ge [sflag:s19], $0x4000  }
0xb0: {  	s1 =	stileid.u32;
	[sflag:s19] =	ssyncset.done $0x0  }
0xb1: {  	s1 =	sshll.u32 s1, $0x6;
	[sflag:s19] =	ssyncadd.s32 $0xFFFFC000  }
0xb2: {  	s1 =	sor.u32 $0x1C05, s1;
	[bflag:$0x0] =	sbarrier.arrive $0xFFFF  }
0xb3: {  	[hbm:s11], [sflag:s1] =	dma.local [spmem:s24], $0x2700  }
0xb4: {  	_ =	swait.ge [sflag:s19], $0x2700  }
0xb5: {  	s31 =	sadd.s32 $0x1, s31;
	[sflag:s19] =	ssyncset.done $0x0  }
0xb6: {  	p1 =	sne.s32 s31, s13;
	[sflag:s19] =	ssyncadd.s32 $0xFFFFD900  }
0xb7: {  	[hbm:s12], [sflag:s1] =	dma.local @!p0 [spmem:s25], $0x100  }
.Ltmp3:
0xb8: {  	_ = 	snop;
	(pc) =	sbr.rel @p1 .LBB2_1-.Ltmp3, $4  }
0xb9: {  	s1 =	simm.s32 @!p0 $0x5  }
0xba: {  	_ =	swait.ge @!p0 [sflag:s1], $0x100  }
0xbb: {  	[sflag:s1] =	ssyncset.done @!p0 $0x0  }
0xbc: {  	[sflag:s1] =	ssyncadd.s32 @!p0 $0xFFFFFF00  }
0xbd: {  	_ =	sfence.sel $0x180000  }
0xbe: {  	[bflag:$0x0] =	sbarrier.arrive $0xFFFF  }
0xbf: {  	_ =	strace $0x90000047  }
0xc0: {  	s0 =	stileid.u32;
	[bflag:$0x2] =	sbarrier.arrive $0xFFFF  }
0xc1: {  	p0 =	sne.s32 s0, $0x0;
	s0 =	rddreg [dreg:$0x4]  }
0xc2: {  	s0 =	sadd.s32 @!p0 $0x100000, s0  }
0xc3: {  	[sflag:s0] =	ssyncadd.tile.s32 @!p0 $0x1;
	_ =	shalt  }
.Lfunc_end2:
_tile_overlayer_lowered:
.L_overlay_start_2:
0xc4: {  	(tag) =	ssettag $0x2  }
0xc5: {  	s0 =	rddreg [dreg:$0x0];
	s2 =	stileid.u32  }
0xc6: {  	s1 =	rddreg [dreg:$0x1];
	p0 =	sne.s32 s2, $0x0  }
0xc7: {  	s3 =	rddreg [dreg:$0x2];
	[bflag:$0x3] =	sbarrier.arrive $0xFFFF;
	s2 =	simm.s32 @!p0 $0x1C05  }
0xc8: {  	[timem:s3], [sflag:s2] =	dma.local @!p0 [hbm:s0], s1  }
0xc9: {  	s0 =	simm.s32 @!p0 $0x5  }
0xca: {  	_ =	swait.ge @!p0 [sflag:s0], s1  }
0xcb: {  	s1 =	ssub.s32 @!p0 $0x0, s1;
	[sflag:s0] =	ssyncset.done @!p0 $0x0  }
0xcc: {  	[sflag:s0] =	ssyncadd.s32 @!p0 s1  }
0xcd: {  	[bflag:$0x3] =	sbarrier.arrive $0xFFFF  }
0xce: {  	_ =	shalt  }

</sc_bundles>
